<compile_context>
chip_gen: v7x
topology: tpu7x:2x2x1
jax: 0.10.2.dev20260603
libtpu: 0.0.44.dev20260713+nightly
codegen_flags: <defaults>
</compile_context>

<pallas_src>
import functools

import jax
import jax.numpy as jnp
from jax import lax
from jax.experimental import pallas as pl
from jax.experimental.pallas import tpu as pltpu
from jax.experimental.pallas import tpu_sc as plsc

_T = 2048
_DIM = 1024
_INTER = 704
_E = 8
_BLK = 256
_RPAD = _T * 2 + _E * _BLK
_L = _RPAD + _T
_NB = _RPAD // _BLK
_NBPAD = 64
_CHUNK = 256
_NCH = _T // _CHUNK
_NC = 2
_NS = 16
_NW = _NC * _NS
_TPW = _T // _NW


def _gate_body(x_ref, gw_ref, gb_ref, dest_ref, w0_ref, w1_ref, be_ref,
               bv_ref, nx_ref):
    x = x_ref[...]
    gw = gw_ref[...]
    logits = lax.dot_general(x, gw, (((1,), (1,)), ((), ())),
                             preferred_element_type=jnp.float32)
    scores = 1.0 / (1.0 + jnp.exp(-logits))
    biased = scores + gb_ref[...]
    e_iota = lax.broadcasted_iota(jnp.int32, (_T, _E), 1)

    m1 = jnp.max(biased, axis=1, keepdims=True)
    idx1 = jnp.min(jnp.where(biased >= m1, e_iota, _E), axis=1,
                   keepdims=True)
    oh0b = e_iota == idx1
    oh0 = oh0b.astype(jnp.float32)
    s1 = jnp.sum(oh0 * scores, axis=1, keepdims=True)
    biased2 = jnp.where(oh0b, -jnp.inf, biased)
    m2 = jnp.max(biased2, axis=1, keepdims=True)
    idx2 = jnp.min(jnp.where(biased2 >= m2, e_iota, _E), axis=1,
                   keepdims=True)
    oh1b = e_iota == idx2
    oh1 = oh1b.astype(jnp.float32)
    s2 = jnp.sum(oh1 * scores, axis=1, keepdims=True)
    denom = jnp.maximum(s1 + s2, 1e-10)
    w0_ref[...] = jnp.broadcast_to(s1 / denom, (_T, _E))
    w1_ref[...] = jnp.broadcast_to(s2 / denom, (_T, _E))

    r = lax.broadcasted_iota(jnp.int32, (_CHUNK, _CHUNK), 0)
    c = lax.broadcasted_iota(jnp.int32, (_CHUNK, _CHUNK), 1)
    tri = (r > c).astype(jnp.float32)
    r16 = lax.broadcasted_iota(jnp.int32, (_NCH, _NCH), 0)
    c16 = lax.broadcasted_iota(jnp.int32, (_NCH, _NCH), 1)
    tri16 = (r16 > c16).astype(jnp.float32)

    def excl_scan(oh):
        within, tots = [], []
        for k in range(_NCH):
            blk = oh[k * _CHUNK:(k + 1) * _CHUNK, :]
            within.append(jnp.dot(tri, blk, preferred_element_type=jnp.float32))
            tots.append(jnp.sum(blk, axis=0, keepdims=True))
        totals = jnp.concatenate(tots, axis=0)
        pref = jnp.dot(tri16, totals, preferred_element_type=jnp.float32)
        rows = [within[k] + pref[k:k + 1, :] for k in range(_NCH)]
        return jnp.concatenate(rows, axis=0), totals

    scan0, tot0_c = excl_scan(oh0)
    scan1, tot1_c = excl_scan(oh1)
    tot0 = jnp.sum(tot0_c, axis=0, keepdims=True)
    scan1 = scan1 + tot0
    cnt = tot0 + jnp.sum(tot1_c, axis=0, keepdims=True)

    cnt_i = cnt.astype(jnp.int32)
    pad_i = ((cnt_i + (_BLK - 1)) // _BLK) * _BLK
    pad = pad_i.astype(jnp.float32)
    r8 = lax.broadcasted_iota(jnp.int32, (_E, _E), 0)
    c8 = lax.broadcasted_iota(jnp.int32, (_E, _E), 1)
    up8 = (r8 < c8).astype(jnp.float32)
    offs = jnp.dot(pad, up8, preferred_element_type=jnp.float32)

    dest0 = jnp.sum(oh0 * (offs + scan0), axis=1)
    dest1 = jnp.sum(oh1 * (offs + scan1), axis=1)
    dest_ref[0, :] = dest0.astype(jnp.int32)
    dest_ref[1, :] = dest1.astype(jnp.int32)

    bstart = lax.broadcasted_iota(jnp.int32, (_NBPAD, 1), 0).astype(
        jnp.float32) * float(_BLK)
    offs9 = jnp.concatenate([offs, jnp.full((1, 1), float(_RPAD))], axis=1)
    cnt9 = jnp.concatenate([cnt, jnp.full((1, 1), float(_T))], axis=1)
    ge = (bstart >= offs9).astype(jnp.float32)
    blk_e = jnp.sum(ge, axis=1) - 1.0
    inseg = jnp.logical_and(bstart >= offs9, bstart < offs9 + cnt9)
    blk_v = jnp.sum(inseg.astype(jnp.float32), axis=1)
    be_ref[0, :] = blk_e.astype(jnp.int32)
    bv_ref[0, :] = blk_v.astype(jnp.int32)

    eidx = lax.broadcasted_iota(jnp.int32, (_NBPAD, _E), 1)
    blk_ei = blk_e.astype(jnp.int32)
    cand = jnp.logical_and(cnt > 0.0, eidx > blk_ei[:, None])
    nxt = jnp.min(jnp.where(cand, eidx, 99), axis=1)
    nx_ref[0, :] = jnp.where(nxt > 98, blk_ei, nxt)


_gate_call = pl.pallas_call(
    _gate_body,
    out_shape=[
        jax.ShapeDtypeStruct((2, _T), jnp.int32),
        jax.ShapeDtypeStruct((_T, _E), jnp.float32),
        jax.ShapeDtypeStruct((_T, _E), jnp.float32),
        jax.ShapeDtypeStruct((1, _NBPAD), jnp.int32),
        jax.ShapeDtypeStruct((1, _NBPAD), jnp.int32),
        jax.ShapeDtypeStruct((1, _NBPAD), jnp.int32),
    ],
)

@functools.cache
def _sc_kernels():
    mesh = plsc.VectorSubcoreMesh(core_axis_name="c", subcore_axis_name="s",
                                  num_cores=_NC, num_subcores=_NS)

    @functools.partial(
        pl.kernel,
        out_type=jax.ShapeDtypeStruct((_RPAD, _DIM), jnp.float32),
        mesh=mesh,
        scratch_types=[
            pltpu.VMEM((_TPW, _DIM), jnp.float32),
            pltpu.VMEM((_TPW,), jnp.int32),
            pltpu.VMEM((_TPW,), jnp.int32),
            pltpu.SemaphoreType.DMA,
            pltpu.SemaphoreType.DMA,
        ],
    )
    def dispatch(x_hbm, d0_hbm, d1_hbm, xg_hbm, xbuf, i0, i1, s0, s1):
        wid = lax.axis_index("s") * _NC + lax.axis_index("c")
        tb = wid * _TPW
        pltpu.sync_copy(x_hbm.at[pl.ds(tb, _TPW)], xbuf)
        pltpu.sync_copy(d0_hbm.at[pl.ds(tb, _TPW)], i0)
        pltpu.sync_copy(d1_hbm.at[pl.ds(tb, _TPW)], i1)
        c0 = pltpu.async_copy(xbuf, xg_hbm.at[i0], s0)
        c1 = pltpu.async_copy(xbuf, xg_hbm.at[i1], s1)
        c0.wait()
        c1.wait()

    @functools.partial(
        pl.kernel,
        out_type=(jax.ShapeDtypeStruct((_T, _DIM), jnp.float32),
                  jax.ShapeDtypeStruct((_T, _DIM), jnp.float32)),
        mesh=mesh,
        scratch_types=[
            pltpu.VMEM((_TPW, _DIM), jnp.float32),
            pltpu.VMEM((_TPW,), jnp.int32),
            pltpu.SemaphoreType.DMA,
        ],
    )
    def gather_back(out_hbm, d0_hbm, d1_hbm, z0_hbm, z1_hbm, buf, idx, sem):
        wid = lax.axis_index("s") * _NC + lax.axis_index("c")
        tb = wid * _TPW
        pltpu.sync_copy(d0_hbm.at[pl.ds(tb, _TPW)], idx)
        pltpu.async_copy(out_hbm.at[idx], buf, sem).wait()
        pltpu.sync_copy(buf, z0_hbm.at[pl.ds(tb, _TPW)])
        pltpu.sync_copy(d1_hbm.at[pl.ds(tb, _TPW)], idx)
        pltpu.async_copy(out_hbm.at[idx], buf, sem).wait()
        pltpu.sync_copy(buf, z1_hbm.at[pl.ds(tb, _TPW)])

    return dispatch, gather_back


def _swiglu_cached(xb, w1s, w2s, w3s):
    xb = xb.astype(jnp.bfloat16)
    h1 = lax.dot_general(xb, w1s[...], (((1,), (1,)), ((), ())),
                         preferred_element_type=jnp.float32)
    h3 = lax.dot_general(xb, w3s[...], (((1,), (1,)), ((), ())),
                         preferred_element_type=jnp.float32)
    h = (h1 / (1.0 + jnp.exp(-h1)) * h3).astype(jnp.bfloat16)
    return lax.dot_general(
        h, w2s[...], (((1,), (0,)), ((), ())),
        preferred_element_type=jnp.float32).astype(jnp.bfloat16)


def _ffn_body(be_ref, bv_ref, nx_ref, xg_ref, w1_hbm, w2_hbm, w3_hbm, o_ref,
              wfa, wfb, cache, sema, semb):
    b = pl.program_id(0)
    e = be_ref[b]
    bm1 = jnp.maximum(b - 1, 0)
    changed = jnp.logical_or(b == 0, e != be_ref[bm1])
    nxt = nx_ref[b]
    slot = e % 2
    nslot = nxt % 2

    def issue(ee, wf, sem):
        pltpu.async_copy(w1_hbm.at[ee], wf.at[0], sem.at[0])
        pltpu.async_copy(w2_hbm.at[ee], wf.at[1], sem.at[1])
        pltpu.async_copy(w3_hbm.at[ee], wf.at[2], sem.at[2])

    def drain(ee, wf, sem):
        pltpu.make_async_copy(w1_hbm.at[ee], wf.at[0], sem.at[0]).wait()
        pltpu.make_async_copy(w2_hbm.at[ee], wf.at[1], sem.at[1]).wait()
        pltpu.make_async_copy(w3_hbm.at[ee], wf.at[2], sem.at[2]).wait()

    for s, wf, sem in ((0, wfa, sema), (1, wfb, semb)):
        @pl.when(jnp.logical_and(b == 0, slot == s))
        def _(wf=wf, sem=sem):
            issue(e, wf, sem)

    @pl.when(changed)
    def _():
        for s, wf, sem in ((0, wfa, sema), (1, wfb, semb)):
            @pl.when(slot == s)
            def _(wf=wf, sem=sem):
                drain(e, wf, sem)
                cache[0, :, :] = wf[0].astype(jnp.bfloat16)
                cache[1, :, :] = wf[1].astype(jnp.bfloat16)
                cache[2, :, :] = wf[2].astype(jnp.bfloat16)

        for s, wf, sem in ((0, wfa, sema), (1, wfb, semb)):
            @pl.when(nslot == s)
            def _(wf=wf, sem=sem):
                issue(nxt, wf, sem)

    @pl.when(bv_ref[b] != 0)
    def _():
        xb = xg_ref[...].astype(jnp.bfloat16)
        h1 = lax.dot_general(xb, cache[0], (((1,), (1,)), ((), ())),
                             preferred_element_type=jnp.float32)
        h3 = lax.dot_general(xb, cache[2], (((1,), (1,)), ((), ())),
                             preferred_element_type=jnp.float32)
        h = (h1 / (1.0 + jnp.exp(-h1)) * h3).astype(jnp.bfloat16)
        o_ref[...] = lax.dot_general(h, cache[1], (((1,), (0,)), ((), ())),
                                     preferred_element_type=jnp.float32)

    for s, wf, sem in ((0, wfa, sema), (1, wfb, semb)):
        @pl.when(jnp.logical_and(b == _NB - 1, nslot == s))
        def _(wf=wf, sem=sem):
            drain(nxt, wf, sem)


_ffn_grid = pltpu.PrefetchScalarGridSpec(
    num_scalar_prefetch=3,
    grid=(_NB,),
    in_specs=[
        pl.BlockSpec((_BLK, _DIM), lambda b, be, bv, nx: (b, 0)),
        pl.BlockSpec(memory_space=pltpu.MemorySpace.HBM),
        pl.BlockSpec(memory_space=pltpu.MemorySpace.HBM),
        pl.BlockSpec(memory_space=pltpu.MemorySpace.HBM),
    ],
    out_specs=pl.BlockSpec((_BLK, _DIM), lambda b, be, bv, nx: (b, 0)),
    scratch_shapes=[
        pltpu.VMEM((3, _INTER, _DIM), jnp.float32),
        pltpu.VMEM((3, _INTER, _DIM), jnp.float32),
        pltpu.VMEM((3, _INTER, _DIM), jnp.bfloat16),
        pltpu.SemaphoreType.DMA((3,)),
        pltpu.SemaphoreType.DMA((3,)),
    ],
)

_ffn_call = pl.pallas_call(
    _ffn_body,
    grid_spec=_ffn_grid,
    out_shape=jax.ShapeDtypeStruct((_RPAD, _DIM), jnp.float32),
)


def _sffn_body(x_ref, w1_ref, w2_ref, w3_ref, o_ref, w1s, w2s, w3s):
    @pl.when(pl.program_id(0) == 0)
    def _():
        w1s[...] = w1_ref[0].astype(jnp.bfloat16)
        w2s[...] = w2_ref[0].astype(jnp.bfloat16)
        w3s[...] = w3_ref[0].astype(jnp.bfloat16)

    o_ref[...] = _swiglu_cached(x_ref[...], w1s, w2s, w3s)


_sffn_call = pl.pallas_call(
    _sffn_body,
    grid=(_T // _BLK,),
    in_specs=[
        pl.BlockSpec((_BLK, _DIM), lambda i: (i, 0)),
        pl.BlockSpec((1, _INTER, _DIM), lambda i: (0, 0, 0)),
        pl.BlockSpec((1, _INTER, _DIM), lambda i: (0, 0, 0)),
        pl.BlockSpec((1, _INTER, _DIM), lambda i: (0, 0, 0)),
    ],
    out_specs=pl.BlockSpec((_BLK, _DIM), lambda i: (i, 0)),
    out_shape=jax.ShapeDtypeStruct((_T, _DIM), jnp.bfloat16),
    scratch_shapes=[
        pltpu.VMEM((_INTER, _DIM), jnp.bfloat16),
        pltpu.VMEM((_INTER, _DIM), jnp.bfloat16),
        pltpu.VMEM((_INTER, _DIM), jnp.bfloat16),
    ],
)


_CB = 256


def _combine_body(z0_ref, z1_ref, os_ref, w0_ref, w1_ref, y_ref):
    w0 = w0_ref[:, 0:1]
    w1 = w1_ref[:, 0:1]
    y_ref[...] = (w0 * z0_ref[...].astype(jnp.float32)
                  + w1 * z1_ref[...].astype(jnp.float32)
                  + os_ref[...].astype(jnp.float32))


_combine_call = pl.pallas_call(
    _combine_body,
    grid=(_T // _CB,),
    in_specs=[
        pl.BlockSpec((_CB, _DIM), lambda i: (i, 0)),
        pl.BlockSpec((_CB, _DIM), lambda i: (i, 0)),
        pl.BlockSpec((_CB, _DIM), lambda i: (i, 0)),
        pl.BlockSpec((_CB, _E), lambda i: (i, 0)),
        pl.BlockSpec((_CB, _E), lambda i: (i, 0)),
    ],
    out_specs=pl.BlockSpec((_CB, _DIM), lambda i: (i, 0)),
    out_shape=jax.ShapeDtypeStruct((_T, _DIM), jnp.float32),
)


def kernel(x, gate_w, gate_bias, W1, W2, W3, SW1, SW2, SW3):
    gb = gate_bias.reshape(1, _E).astype(jnp.float32)
    dispatch, gather_back = _sc_kernels()
    dest, w0b, w1b, be, bv, nx = _gate_call(x, gate_w, gb)
    d0 = dest[0]
    d1 = dest[1]
    xg = dispatch(x, d0, d1)
    be_ = be.reshape(_NBPAD)[:_NB]
    bv_ = bv.reshape(_NBPAD)[:_NB]
    nx_ = nx.reshape(_NBPAD)[:_NB]
    out = _ffn_call(be_, bv_, nx_, xg, W1, jnp.swapaxes(W2, 1, 2), W3)
    z0, z1 = gather_back(out, d0, d1)
    out_s = _sffn_call(x, SW1, jnp.swapaxes(SW2, 1, 2), SW3)
    return _combine_call(z0, z1, out_s, w0b, w1b)

# --- scband reference (transcript-rebuilt; emitter-appended) ---
"""Pipeline reference for scband-deep-seek-mo-e-68882685493800 (READ-ONLY COPY).

The authoritative reference and input builder live on the scoring server;
editing this copy changes nothing except your own understanding.
"""

import jax, jax.numpy as jnp
import numpy as np

T = 2048
DIM = 1024
INTER = 704
E = 8
TOPK = 2
NSHARED = 1
ROUTE_SCALE = 1.0


def setup_inputs(seed: int = 0) -> dict:
    key = jax.random.key(seed)
    ks = jax.random.split(key, 9)
    x = jax.random.normal(ks[0], (T, DIM), dtype=jnp.float32)
    gate_w = jax.random.normal(ks[1], (E, DIM), dtype=jnp.float32) * 0.006
    gate_bias = jnp.zeros((E,), dtype=jnp.float32)
    W1 = jax.random.normal(ks[2], (E, INTER, DIM), dtype=jnp.float32) * (1.0 / np.sqrt(DIM))
    W2 = jax.random.normal(ks[3], (E, DIM, INTER), dtype=jnp.float32) * (1.0 / np.sqrt(INTER))
    W3 = jax.random.normal(ks[4], (E, INTER, DIM), dtype=jnp.float32) * (1.0 / np.sqrt(DIM))
    SW1 = jax.random.normal(ks[5], (NSHARED, INTER, DIM), dtype=jnp.float32) * (1.0 / np.sqrt(DIM))
    SW2 = jax.random.normal(ks[6], (NSHARED, DIM, INTER), dtype=jnp.float32) * (1.0 / np.sqrt(INTER))
    SW3 = jax.random.normal(ks[7], (NSHARED, INTER, DIM), dtype=jnp.float32) * (1.0 / np.sqrt(DIM))
    return {"x": x, "gate_w": gate_w, "gate_bias": gate_bias,
            "W1": W1, "W2": W2, "W3": W3,
            "SW1": SW1, "SW2": SW2, "SW3": SW3}


def reference(x, gate_w, gate_bias, W1, W2, W3, SW1, SW2, SW3):
    # ---- AuxLossFreeGate (n_groups == 1, so no group-limited routing branch) ----
    scores = jax.nn.sigmoid(x @ gate_w.T)                       # (T, E)
    biased = scores + gate_bias.astype(scores.dtype)            # bias only affects expert SELECTION
    _, indices = jax.lax.top_k(biased, TOPK)                    # (T, TOPK)
    weights = jnp.take_along_axis(scores, indices, axis=1)      # raw sigmoid scores as weights
    weights = weights / jnp.clip(weights.sum(axis=-1, keepdims=True), 1e-10, None)
    weights = (weights * ROUTE_SCALE).astype(x.dtype)
    # ---- Routed experts (world_size=1: all experts local). Masked-dense form:
    # tokens not routed to expert e receive weight 0, matching the torch scatter form. ----
    y = jnp.zeros_like(x)
    for e in range(E):
        w_e = (weights * (indices == e)).sum(axis=-1)           # (T,)
        h = jax.nn.silu(x @ W1[e].T) * (x @ W3[e].T)            # SwiGLU
        y = y + w_e[:, None] * (h @ W2[e].T)
    # ---- Shared experts: run unconditionally, added after (no-op) all-reduce ----
    for s in range(NSHARED):
        h = jax.nn.silu(x @ SW1[s].T) * (x @ SW3[s].T)
        y = y + (h @ SW2[s].T)
    return y

if __name__ == "__main__":
    import jax
    _d = setup_inputs()
    print(jax.jit(kernel)(*tuple(_d.values())))

</pallas_src>

<mosaic_0001>
#map = affine_map<(d0, d1) -> (0, 0)>
#map1 = affine_map<(d0, d1) -> (0)>
module attributes {stable_mosaic.version = 14 : i64} {
  func.func @gather_back(%arg0: i32, %arg1: i32, %arg2: memref<6144x1024xf32, #tpu.memory_space<hbm>>, %arg3: memref<2048xi32, #tpu.memory_space<hbm>>, %arg4: memref<2048xi32, #tpu.memory_space<hbm>>, %arg5: memref<2048x1024xf32, #tpu.memory_space<hbm>>, %arg6: memref<2048x1024xf32, #tpu.memory_space<hbm>>, %arg7: memref<64x1024xf32, #tpu.memory_space<vmem>>, %arg8: memref<64xi32, #tpu.memory_space<vmem>>, %arg9: memref<!tpu.dma_semaphore, #tpu.memory_space<semaphore_mem>>) attributes {dimension_semantics = [#tpu.dimension_semantics<core_parallel>, #tpu.dimension_semantics<subcore_parallel>], iteration_bounds = array<i64: 2, 16>, scalar_prefetch = 0 : i64, scratch_operands = 3 : i64, tpu.core_type = #tpu.core_type<sc_vector_subcore>, window_params = [{transform_indices = #map}, {transform_indices = #map1}, {transform_indices = #map1}, {transform_indices = #map}, {transform_indices = #map}]} {
    %mul3A = arith.constant 2 : i32
    %mul3A_0 = arith.muli %arg1, %mul3A : i32
    %add3A = arith.addi %mul3A_0, %arg0 : i32
    %mul3A_1 = arith.constant 64 : i32
    %mul3A_2 = arith.muli %add3A, %mul3A_1 : i32
    "tpu.region"() ({
      %run_scoped3A = tpu.sem_alloc : memref<!tpu.dma_semaphore, #tpu.memory_space<semaphore_mem>>
      %dma_start3A_13 = tpu.memref_slice %arg3[%mul3A_2] : memref<2048xi32, #tpu.memory_space<hbm>> -> memref<64xi32, #tpu.memory_space<hbm>>
      %dma_start3A_14 = tpu.memref_slice %arg3[%mul3A_2] : memref<2048xi32, #tpu.memory_space<hbm>> -> memref<64xi32, #tpu.memory_space<hbm>>
      tpu.enqueue_dma source(%dma_start3A_14 : memref<64xi32, #tpu.memory_space<hbm>>) target(%arg8 : memref<64xi32, #tpu.memory_space<vmem>>) target_semaphore(%run_scoped3A : memref<!tpu.dma_semaphore, #tpu.memory_space<semaphore_mem>>)
      %dma_wait3A_15 = tpu.memref_slice %arg3[%mul3A_2] : memref<2048xi32, #tpu.memory_space<hbm>> -> memref<64xi32, #tpu.memory_space<hbm>>
      %dma_wait3A_16 = tpu.memref_slice %arg3[%mul3A_2] : memref<2048xi32, #tpu.memory_space<hbm>> -> memref<64xi32, #tpu.memory_space<hbm>>
      tpu.wait_dma2 semaphore(%run_scoped3A : memref<!tpu.dma_semaphore, #tpu.memory_space<semaphore_mem>>) src(%dma_wait3A_16 : memref<64xi32, #tpu.memory_space<hbm>>) dst(%arg8 : memref<64xi32, #tpu.memory_space<vmem>>)
      tpu.yield
    }) : () -> ()
    %dma_start3A = arith.constant 0 : i32
    %dma_start3A_3 = arith.constant 0 : i32
    %dma_start3A_4 = tpu.memref_slice %arg2[%dma_start3A, %dma_start3A_3] : memref<6144x1024xf32, #tpu.memory_space<hbm>> -> memref<6144x1024xf32, #tpu.memory_space<hbm>>
    tpu.enqueue_indirect_dma source(%dma_start3A_4 : memref<6144x1024xf32, #tpu.memory_space<hbm>>) target(%arg7 : memref<64x1024xf32, #tpu.memory_space<vmem>>) offsets(%arg8 : memref<64xi32, #tpu.memory_space<vmem>>) semaphore(%arg9 : memref<!tpu.dma_semaphore, #tpu.memory_space<semaphore_mem>>)
    %dma_wait3A = arith.constant 0 : i32
    %dma_wait3A_5 = arith.constant 0 : i32
    %dma_wait3A_6 = tpu.memref_slice %arg2[%dma_wait3A, %dma_wait3A_5] : memref<6144x1024xf32, #tpu.memory_space<hbm>> -> memref<6144x1024xf32, #tpu.memory_space<hbm>>
    tpu.wait_indirect_dma semaphore(%arg9 : memref<!tpu.dma_semaphore, #tpu.memory_space<semaphore_mem>>) src(%dma_wait3A_6 : memref<6144x1024xf32, #tpu.memory_space<hbm>>) dst(%arg7 : memref<64x1024xf32, #tpu.memory_space<vmem>>)
    "tpu.region"() ({
      %run_scoped3A = tpu.sem_alloc : memref<!tpu.dma_semaphore, #tpu.memory_space<semaphore_mem>>
      %dma_start3A_13 = arith.constant 0 : i32
      %dma_start3A_14 = tpu.memref_slice %arg5[%mul3A_2, %dma_start3A_13] : memref<2048x1024xf32, #tpu.memory_space<hbm>> -> memref<64x1024xf32, #tpu.memory_space<hbm>>
      %dma_start3A_15 = arith.constant 0 : i32
      %dma_start3A_16 = tpu.memref_slice %arg5[%mul3A_2, %dma_start3A_15] : memref<2048x1024xf32, #tpu.memory_space<hbm>> -> memref<64x1024xf32, #tpu.memory_space<hbm>>
      tpu.enqueue_dma source(%arg7 : memref<64x1024xf32, #tpu.memory_space<vmem>>) target(%dma_start3A_16 : memref<64x1024xf32, #tpu.memory_space<hbm>>) target_semaphore(%run_scoped3A : memref<!tpu.dma_semaphore, #tpu.memory_space<semaphore_mem>>)
      %dma_wait3A_17 = arith.constant 0 : i32
      %dma_wait3A_18 = tpu.memref_slice %arg5[%mul3A_2, %dma_wait3A_17] : memref<2048x1024xf32, #tpu.memory_space<hbm>> -> memref<64x1024xf32, #tpu.memory_space<hbm>>
      %dma_wait3A_19 = arith.constant 0 : i32
      %dma_wait3A_20 = tpu.memref_slice %arg5[%mul3A_2, %dma_wait3A_19] : memref<2048x1024xf32, #tpu.memory_space<hbm>> -> memref<64x1024xf32, #tpu.memory_space<hbm>>
      tpu.wait_dma2 semaphore(%run_scoped3A : memref<!tpu.dma_semaphore, #tpu.memory_space<semaphore_mem>>) src(%arg7 : memref<64x1024xf32, #tpu.memory_space<vmem>>) dst(%dma_wait3A_20 : memref<64x1024xf32, #tpu.memory_space<hbm>>)
      tpu.yield
    }) : () -> ()
    "tpu.region"() ({
      %run_scoped3A = tpu.sem_alloc : memref<!tpu.dma_semaphore, #tpu.memory_space<semaphore_mem>>
      %dma_start3A_13 = tpu.memref_slice %arg4[%mul3A_2] : memref<2048xi32, #tpu.memory_space<hbm>> -> memref<64xi32, #tpu.memory_space<hbm>>
      %dma_start3A_14 = tpu.memref_slice %arg4[%mul3A_2] : memref<2048xi32, #tpu.memory_space<hbm>> -> memref<64xi32, #tpu.memory_space<hbm>>
      tpu.enqueue_dma source(%dma_start3A_14 : memref<64xi32, #tpu.memory_space<hbm>>) target(%arg8 : memref<64xi32, #tpu.memory_space<vmem>>) target_semaphore(%run_scoped3A : memref<!tpu.dma_semaphore, #tpu.memory_space<semaphore_mem>>)
      %dma_wait3A_15 = tpu.memref_slice %arg4[%mul3A_2] : memref<2048xi32, #tpu.memory_space<hbm>> -> memref<64xi32, #tpu.memory_space<hbm>>
      %dma_wait3A_16 = tpu.memref_slice %arg4[%mul3A_2] : memref<2048xi32, #tpu.memory_space<hbm>> -> memref<64xi32, #tpu.memory_space<hbm>>
      tpu.wait_dma2 semaphore(%run_scoped3A : memref<!tpu.dma_semaphore, #tpu.memory_space<semaphore_mem>>) src(%dma_wait3A_16 : memref<64xi32, #tpu.memory_space<hbm>>) dst(%arg8 : memref<64xi32, #tpu.memory_space<vmem>>)
      tpu.yield
    }) : () -> ()
    %dma_start3A_7 = arith.constant 0 : i32
    %dma_start3A_8 = arith.constant 0 : i32
    %dma_start3A_9 = tpu.memref_slice %arg2[%dma_start3A_7, %dma_start3A_8] : memref<6144x1024xf32, #tpu.memory_space<hbm>> -> memref<6144x1024xf32, #tpu.memory_space<hbm>>
    tpu.enqueue_indirect_dma source(%dma_start3A_9 : memref<6144x1024xf32, #tpu.memory_space<hbm>>) target(%arg7 : memref<64x1024xf32, #tpu.memory_space<vmem>>) offsets(%arg8 : memref<64xi32, #tpu.memory_space<vmem>>) semaphore(%arg9 : memref<!tpu.dma_semaphore, #tpu.memory_space<semaphore_mem>>)
    %dma_wait3A_10 = arith.constant 0 : i32
    %dma_wait3A_11 = arith.constant 0 : i32
    %dma_wait3A_12 = tpu.memref_slice %arg2[%dma_wait3A_10, %dma_wait3A_11] : memref<6144x1024xf32, #tpu.memory_space<hbm>> -> memref<6144x1024xf32, #tpu.memory_space<hbm>>
    tpu.wait_indirect_dma semaphore(%arg9 : memref<!tpu.dma_semaphore, #tpu.memory_space<semaphore_mem>>) src(%dma_wait3A_12 : memref<6144x1024xf32, #tpu.memory_space<hbm>>) dst(%arg7 : memref<64x1024xf32, #tpu.memory_space<vmem>>)
    "tpu.region"() ({
      %run_scoped3A = tpu.sem_alloc : memref<!tpu.dma_semaphore, #tpu.memory_space<semaphore_mem>>
      %dma_start3A_13 = arith.constant 0 : i32
      %dma_start3A_14 = tpu.memref_slice %arg6[%mul3A_2, %dma_start3A_13] : memref<2048x1024xf32, #tpu.memory_space<hbm>> -> memref<64x1024xf32, #tpu.memory_space<hbm>>
      %dma_start3A_15 = arith.constant 0 : i32
      %dma_start3A_16 = tpu.memref_slice %arg6[%mul3A_2, %dma_start3A_15] : memref<2048x1024xf32, #tpu.memory_space<hbm>> -> memref<64x1024xf32, #tpu.memory_space<hbm>>
      tpu.enqueue_dma source(%arg7 : memref<64x1024xf32, #tpu.memory_space<vmem>>) target(%dma_start3A_16 : memref<64x1024xf32, #tpu.memory_space<hbm>>) target_semaphore(%run_scoped3A : memref<!tpu.dma_semaphore, #tpu.memory_space<semaphore_mem>>)
      %dma_wait3A_17 = arith.constant 0 : i32
      %dma_wait3A_18 = tpu.memref_slice %arg6[%mul3A_2, %dma_wait3A_17] : memref<2048x1024xf32, #tpu.memory_space<hbm>> -> memref<64x1024xf32, #tpu.memory_space<hbm>>
      %dma_wait3A_19 = arith.constant 0 : i32
      %dma_wait3A_20 = tpu.memref_slice %arg6[%mul3A_2, %dma_wait3A_19] : memref<2048x1024xf32, #tpu.memory_space<hbm>> -> memref<64x1024xf32, #tpu.memory_space<hbm>>
      tpu.wait_dma2 semaphore(%run_scoped3A : memref<!tpu.dma_semaphore, #tpu.memory_space<semaphore_mem>>) src(%arg7 : memref<64x1024xf32, #tpu.memory_space<vmem>>) dst(%dma_wait3A_20 : memref<64x1024xf32, #tpu.memory_space<hbm>>)
      tpu.yield
    }) : () -> ()
    return
  }
}

#map = affine_map<(d0, d1) -> (0, 0)>
#map1 = affine_map<(d0, d1) -> (0)>
module attributes {stable_mosaic.version = 14 : i64} {
  func.func @dispatch(%arg0: i32, %arg1: i32, %arg2: memref<2048x1024xf32, #tpu.memory_space<hbm>>, %arg3: memref<2048xi32, #tpu.memory_space<hbm>>, %arg4: memref<2048xi32, #tpu.memory_space<hbm>>, %arg5: memref<6144x1024xf32, #tpu.memory_space<hbm>>, %arg6: memref<64x1024xf32, #tpu.memory_space<vmem>>, %arg7: memref<64xi32, #tpu.memory_space<vmem>>, %arg8: memref<64xi32, #tpu.memory_space<vmem>>, %arg9: memref<!tpu.dma_semaphore, #tpu.memory_space<semaphore_mem>>, %arg10: memref<!tpu.dma_semaphore, #tpu.memory_space<semaphore_mem>>) attributes {dimension_semantics = [#tpu.dimension_semantics<core_parallel>, #tpu.dimension_semantics<subcore_parallel>], iteration_bounds = array<i64: 2, 16>, scalar_prefetch = 0 : i64, scratch_operands = 5 : i64, tpu.core_type = #tpu.core_type<sc_vector_subcore>, window_params = [{transform_indices = #map}, {transform_indices = #map1}, {transform_indices = #map1}, {transform_indices = #map}]} {
    %mul3A = arith.constant 2 : i32
    %mul3A_0 = arith.muli %arg1, %mul3A : i32
    %add3A = arith.addi %mul3A_0, %arg0 : i32
    %mul3A_1 = arith.constant 64 : i32
    %mul3A_2 = arith.muli %add3A, %mul3A_1 : i32
    "tpu.region"() ({
      %run_scoped3A = tpu.sem_alloc : memref<!tpu.dma_semaphore, #tpu.memory_space<semaphore_mem>>
      %dma_start3A_13 = arith.constant 0 : i32
      %dma_start3A_14 = tpu.memref_slice %arg2[%mul3A_2, %dma_start3A_13] : memref<2048x1024xf32, #tpu.memory_space<hbm>> -> memref<64x1024xf32, #tpu.memory_space<hbm>>
      %dma_start3A_15 = arith.constant 0 : i32
      %dma_start3A_16 = tpu.memref_slice %arg2[%mul3A_2, %dma_start3A_15] : memref<2048x1024xf32, #tpu.memory_space<hbm>> -> memref<64x1024xf32, #tpu.memory_space<hbm>>
      tpu.enqueue_dma source(%dma_start3A_16 : memref<64x1024xf32, #tpu.memory_space<hbm>>) target(%arg6 : memref<64x1024xf32, #tpu.memory_space<vmem>>) target_semaphore(%run_scoped3A : memref<!tpu.dma_semaphore, #tpu.memory_space<semaphore_mem>>)
      %dma_wait3A_17 = arith.constant 0 : i32
      %dma_wait3A_18 = tpu.memref_slice %arg2[%mul3A_2, %dma_wait3A_17] : memref<2048x1024xf32, #tpu.memory_space<hbm>> -> memref<64x1024xf32, #tpu.memory_space<hbm>>
      %dma_wait3A_19 = arith.constant 0 : i32
      %dma_wait3A_20 = tpu.memref_slice %arg2[%mul3A_2, %dma_wait3A_19] : memref<2048x1024xf32, #tpu.memory_space<hbm>> -> memref<64x1024xf32, #tpu.memory_space<hbm>>
      tpu.wait_dma2 semaphore(%run_scoped3A : memref<!tpu.dma_semaphore, #tpu.memory_space<semaphore_mem>>) src(%dma_wait3A_20 : memref<64x1024xf32, #tpu.memory_space<hbm>>) dst(%arg6 : memref<64x1024xf32, #tpu.memory_space<vmem>>)
      tpu.yield
    }) : () -> ()
    "tpu.region"() ({
      %run_scoped3A = tpu.sem_alloc : memref<!tpu.dma_semaphore, #tpu.memory_space<semaphore_mem>>
      %dma_start3A_13 = tpu.memref_slice %arg3[%mul3A_2] : memref<2048xi32, #tpu.memory_space<hbm>> -> memref<64xi32, #tpu.memory_space<hbm>>
      %dma_start3A_14 = tpu.memref_slice %arg3[%mul3A_2] : memref<2048xi32, #tpu.memory_space<hbm>> -> memref<64xi32, #tpu.memory_space<hbm>>
      tpu.enqueue_dma source(%dma_start3A_14 : memref<64xi32, #tpu.memory_space<hbm>>) target(%arg7 : memref<64xi32, #tpu.memory_space<vmem>>) target_semaphore(%run_scoped3A : memref<!tpu.dma_semaphore, #tpu.memory_space<semaphore_mem>>)
      %dma_wait3A_15 = tpu.memref_slice %arg3[%mul3A_2] : memref<2048xi32, #tpu.memory_space<hbm>> -> memref<64xi32, #tpu.memory_space<hbm>>
      %dma_wait3A_16 = tpu.memref_slice %arg3[%mul3A_2] : memref<2048xi32, #tpu.memory_space<hbm>> -> memref<64xi32, #tpu.memory_space<hbm>>
      tpu.wait_dma2 semaphore(%run_scoped3A : memref<!tpu.dma_semaphore, #tpu.memory_space<semaphore_mem>>) src(%dma_wait3A_16 : memref<64xi32, #tpu.memory_space<hbm>>) dst(%arg7 : memref<64xi32, #tpu.memory_space<vmem>>)
      tpu.yield
    }) : () -> ()
    "tpu.region"() ({
      %run_scoped3A = tpu.sem_alloc : memref<!tpu.dma_semaphore, #tpu.memory_space<semaphore_mem>>
      %dma_start3A_13 = tpu.memref_slice %arg4[%mul3A_2] : memref<2048xi32, #tpu.memory_space<hbm>> -> memref<64xi32, #tpu.memory_space<hbm>>
      %dma_start3A_14 = tpu.memref_slice %arg4[%mul3A_2] : memref<2048xi32, #tpu.memory_space<hbm>> -> memref<64xi32, #tpu.memory_space<hbm>>
      tpu.enqueue_dma source(%dma_start3A_14 : memref<64xi32, #tpu.memory_space<hbm>>) target(%arg8 : memref<64xi32, #tpu.memory_space<vmem>>) target_semaphore(%run_scoped3A : memref<!tpu.dma_semaphore, #tpu.memory_space<semaphore_mem>>)
      %dma_wait3A_15 = tpu.memref_slice %arg4[%mul3A_2] : memref<2048xi32, #tpu.memory_space<hbm>> -> memref<64xi32, #tpu.memory_space<hbm>>
      %dma_wait3A_16 = tpu.memref_slice %arg4[%mul3A_2] : memref<2048xi32, #tpu.memory_space<hbm>> -> memref<64xi32, #tpu.memory_space<hbm>>
      tpu.wait_dma2 semaphore(%run_scoped3A : memref<!tpu.dma_semaphore, #tpu.memory_space<semaphore_mem>>) src(%dma_wait3A_16 : memref<64xi32, #tpu.memory_space<hbm>>) dst(%arg8 : memref<64xi32, #tpu.memory_space<vmem>>)
      tpu.yield
    }) : () -> ()
    %dma_start3A = arith.constant 0 : i32
    %dma_start3A_3 = arith.constant 0 : i32
    %dma_start3A_4 = tpu.memref_slice %arg5[%dma_start3A, %dma_start3A_3] : memref<6144x1024xf32, #tpu.memory_space<hbm>> -> memref<6144x1024xf32, #tpu.memory_space<hbm>>
    tpu.enqueue_indirect_dma source(%arg6 : memref<64x1024xf32, #tpu.memory_space<vmem>>) target(%dma_start3A_4 : memref<6144x1024xf32, #tpu.memory_space<hbm>>) offsets(%arg7 : memref<64xi32, #tpu.memory_space<vmem>>) semaphore(%arg9 : memref<!tpu.dma_semaphore, #tpu.memory_space<semaphore_mem>>)
    %dma_start3A_5 = arith.constant 0 : i32
    %dma_start3A_6 = arith.constant 0 : i32
    %dma_start3A_7 = tpu.memref_slice %arg5[%dma_start3A_5, %dma_start3A_6] : memref<6144x1024xf32, #tpu.memory_space<hbm>> -> memref<6144x1024xf32, #tpu.memory_space<hbm>>
    tpu.enqueue_indirect_dma source(%arg6 : memref<64x1024xf32, #tpu.memory_space<vmem>>) target(%dma_start3A_7 : memref<6144x1024xf32, #tpu.memory_space<hbm>>) offsets(%arg8 : memref<64xi32, #tpu.memory_space<vmem>>) semaphore(%arg10 : memref<!tpu.dma_semaphore, #tpu.memory_space<semaphore_mem>>)
    %dma_wait3A = arith.constant 0 : i32
    %dma_wait3A_8 = arith.constant 0 : i32
    %dma_wait3A_9 = tpu.memref_slice %arg5[%dma_wait3A, %dma_wait3A_8] : memref<6144x1024xf32, #tpu.memory_space<hbm>> -> memref<6144x1024xf32, #tpu.memory_space<hbm>>
    tpu.wait_indirect_dma semaphore(%arg9 : memref<!tpu.dma_semaphore, #tpu.memory_space<semaphore_mem>>) src(%arg6 : memref<64x1024xf32, #tpu.memory_space<vmem>>) dst(%dma_wait3A_9 : memref<6144x1024xf32, #tpu.memory_space<hbm>>)
    %dma_wait3A_10 = arith.constant 0 : i32
    %dma_wait3A_11 = arith.constant 0 : i32
    %dma_wait3A_12 = tpu.memref_slice %arg5[%dma_wait3A_10, %dma_wait3A_11] : memref<6144x1024xf32, #tpu.memory_space<hbm>> -> memref<6144x1024xf32, #tpu.memory_space<hbm>>
    tpu.wait_indirect_dma semaphore(%arg10 : memref<!tpu.dma_semaphore, #tpu.memory_space<semaphore_mem>>) src(%arg6 : memref<64x1024xf32, #tpu.memory_space<vmem>>) dst(%dma_wait3A_12 : memref<6144x1024xf32, #tpu.memory_space<hbm>>)
    return
  }
}

module attributes {stable_mosaic.version = 14 : i64} {
  func.func @_combine_body(%arg0: i32, %arg1: memref<256x1024xf32, #tpu.memory_space<vmem>>, %arg2: memref<256x1024xf32, #tpu.memory_space<vmem>>, %arg3: memref<256x1024xbf16, #tpu.memory_space<vmem>>, %arg4: memref<256x8xf32, #tpu.memory_space<vmem>>, %arg5: memref<256x8xf32, #tpu.memory_space<vmem>>, %arg6: memref<256x1024xf32, #tpu.memory_space<vmem>>) attributes {dimension_semantics = [#tpu.dimension_semantics<arbitrary>], iteration_bounds = array<i64: 8>, scalar_prefetch = 0 : i64, scratch_operands = 0 : i64, tpu.core_type = #tpu.core_type<tc>, window_params = [{transform_indices = @transform_0, window_bounds = array<i64: 256, 1024>}, {transform_indices = @transform_1, window_bounds = array<i64: 256, 1024>}, {transform_indices = @transform_2, window_bounds = array<i64: 256, 1024>}, {transform_indices = @transform_3, window_bounds = array<i64: 256, 8>}, {transform_indices = @transform_4, window_bounds = array<i64: 256, 8>}, {transform_indices = @transform_5, window_bounds = array<i64: 256, 1024>}]} {
    %get3A = arith.constant 0 : index
    %get3A_0 = arith.constant 0 : index
    %get3A_1 = vector.load %arg4[%get3A, %get3A_0] : memref<256x8xf32, #tpu.memory_space<vmem>>, vector<256x1xf32>
    %get3A_2 = arith.constant 0 : index
    %get3A_3 = arith.constant 0 : index
    %get3A_4 = vector.load %arg5[%get3A_2, %get3A_3] : memref<256x8xf32, #tpu.memory_space<vmem>>, vector<256x1xf32>
    %get3A_5 = arith.constant 0 : index
    %get3A_6 = arith.constant 0 : index
    %get3A_7 = vector.load %arg1[%get3A_5, %get3A_6] : memref<256x1024xf32, #tpu.memory_space<vmem>>, vector<256x1024xf32>
    %mul3A = vector.broadcast %get3A_1 : vector<256x1xf32> to vector<256x1024xf32>
    %mul3A_8 = arith.mulf %mul3A, %get3A_7 : vector<256x1024xf32>
    %get3A_9 = arith.constant 0 : index
    %get3A_10 = arith.constant 0 : index
    %get3A_11 = vector.load %arg2[%get3A_9, %get3A_10] : memref<256x1024xf32, #tpu.memory_space<vmem>>, vector<256x1024xf32>
    %mul3A_12 = vector.broadcast %get3A_4 : vector<256x1xf32> to vector<256x1024xf32>
    %mul3A_13 = arith.mulf %mul3A_12, %get3A_11 : vector<256x1024xf32>
    %add3A = arith.addf %mul3A_8, %mul3A_13 : vector<256x1024xf32>
    %get3A_14 = arith.constant 0 : index
    %get3A_15 = arith.constant 0 : index
    %get3A_16 = vector.load %arg3[%get3A_14, %get3A_15] : memref<256x1024xbf16, #tpu.memory_space<vmem>>, vector<256x1024xbf16>
    %convert_element_type3A = arith.extf %get3A_16 : vector<256x1024xbf16> to vector<256x1024xf32>
    %add3A_17 = arith.addf %add3A, %convert_element_type3A : vector<256x1024xf32>
    %swap3A = arith.constant 0 : index
    %swap3A_18 = arith.constant 0 : index
    %swap3A_19 = vector.load %arg6[%swap3A, %swap3A_18] : memref<256x1024xf32, #tpu.memory_space<vmem>>, vector<256x1024xf32>
    tpu.vector_store %arg6[%swap3A, %swap3A_18], %add3A_17 {strides = array<i32>} : memref<256x1024xf32, #tpu.memory_space<vmem>>, vector<256x1024xf32>,
    return
  }
  func.func @transform_0(%arg0: i32) -> (i32, i32) {
    %c0_i32 = arith.constant 0 : i32
    %c0_i32_0 = arith.constant 0 : i32
    return %arg0, %c0_i32 : i32, i32
  }
  func.func @transform_1(%arg0: i32) -> (i32, i32) {
    %c0_i32 = arith.constant 0 : i32
    %c0_i32_0 = arith.constant 0 : i32
    return %arg0, %c0_i32 : i32, i32
  }
  func.func @transform_2(%arg0: i32) -> (i32, i32) {
    %c0_i32 = arith.constant 0 : i32
    %c0_i32_0 = arith.constant 0 : i32
    return %arg0, %c0_i32 : i32, i32
  }
  func.func @transform_3(%arg0: i32) -> (i32, i32) {
    %c0_i32 = arith.constant 0 : i32
    %c0_i32_0 = arith.constant 0 : i32
    return %arg0, %c0_i32 : i32, i32
  }
  func.func @transform_4(%arg0: i32) -> (i32, i32) {
    %c0_i32 = arith.constant 0 : i32
    %c0_i32_0 = arith.constant 0 : i32
    return %arg0, %c0_i32 : i32, i32
  }
  func.func @transform_5(%arg0: i32) -> (i32, i32) {
    %c0_i32 = arith.constant 0 : i32
    %c0_i32_0 = arith.constant 0 : i32
    return %arg0, %c0_i32 : i32, i32
  }
}

module attributes {stable_mosaic.version = 14 : i64} {
  func.func @_sffn_body(%arg0: i32, %arg1: memref<256x1024xf32, #tpu.memory_space<vmem>>, %arg2: memref<1x704x1024xf32, #tpu.memory_space<vmem>>, %arg3: memref<1x704x1024xf32, #tpu.memory_space<vmem>>, %arg4: memref<1x704x1024xf32, #tpu.memory_space<vmem>>, %arg5: memref<256x1024xbf16, #tpu.memory_space<vmem>>, %arg6: memref<704x1024xbf16, #tpu.memory_space<vmem>>, %arg7: memref<704x1024xbf16, #tpu.memory_space<vmem>>, %arg8: memref<704x1024xbf16, #tpu.memory_space<vmem>>) attributes {dimension_semantics = [#tpu.dimension_semantics<arbitrary>], iteration_bounds = array<i64: 8>, scalar_prefetch = 0 : i64, scratch_operands = 3 : i64, tpu.core_type = #tpu.core_type<tc>, window_params = [{transform_indices = @transform_0, window_bounds = array<i64: 256, 1024>}, {pipeline_mode = #tpu.pipeline_mode<synchronous>, transform_indices = @transform_1, window_bounds = array<i64: 1, 704, 1024>}, {pipeline_mode = #tpu.pipeline_mode<synchronous>, transform_indices = @transform_2, window_bounds = array<i64: 1, 704, 1024>}, {pipeline_mode = #tpu.pipeline_mode<synchronous>, transform_indices = @transform_3, window_bounds = array<i64: 1, 704, 1024>}, {transform_indices = @transform_4, window_bounds = array<i64: 256, 1024>}]} {
    %eq3A = arith.constant 0 : i32
    %eq3A_0 = arith.cmpi eq, %arg0, %eq3A : i32
    %convert_element_type3A = arith.extui %eq3A_0 : i1 to i32
    %cond3A = arith.constant 0 : i32
    %cond3A_1 = arith.cmpi ne, %convert_element_type3A, %cond3A : i32
    scf.if %cond3A_1 {
      %get3A_27 = arith.constant 0 : index
      %get3A_28 = arith.constant 0 : index
      %get3A_29 = arith.constant 0 : index
      %get3A_30 = vector.load %arg2[%get3A_27, %get3A_28, %get3A_29] : memref<1x704x1024xf32, #tpu.memory_space<vmem>>, vector<1x704x1024xf32>
      %get3A_31 = vector.shape_cast %get3A_30 : vector<1x704x1024xf32> to vector<704x1024xf32>
      %convert_element_type3A_32 = arith.truncf %get3A_31 : vector<704x1024xf32> to vector<704x1024xbf16>
      %swap3A_33 = arith.constant 0 : index
      %swap3A_34 = arith.constant 0 : index
      %swap3A_35 = vector.load %arg6[%swap3A_33, %swap3A_34] : memref<704x1024xbf16, #tpu.memory_space<vmem>>, vector<704x1024xbf16>
      tpu.vector_store %arg6[%swap3A_33, %swap3A_34], %convert_element_type3A_32 {strides = array<i32>} : memref<704x1024xbf16, #tpu.memory_space<vmem>>, vector<704x1024xbf16>,
      %get3A_36 = arith.constant 0 : index
      %get3A_37 = arith.constant 0 : index
      %get3A_38 = arith.constant 0 : index
      %get3A_39 = vector.load %arg3[%get3A_36, %get3A_37, %get3A_38] : memref<1x704x1024xf32, #tpu.memory_space<vmem>>, vector<1x704x1024xf32>
      %get3A_40 = vector.shape_cast %get3A_39 : vector<1x704x1024xf32> to vector<704x1024xf32>
      %convert_element_type3A_41 = arith.truncf %get3A_40 : vector<704x1024xf32> to vector<704x1024xbf16>
      %swap3A_42 = arith.constant 0 : index
      %swap3A_43 = arith.constant 0 : index
      %swap3A_44 = vector.load %arg7[%swap3A_42, %swap3A_43] : memref<704x1024xbf16, #tpu.memory_space<vmem>>, vector<704x1024xbf16>
      tpu.vector_store %arg7[%swap3A_42, %swap3A_43], %convert_element_type3A_41 {strides = array<i32>} : memref<704x1024xbf16, #tpu.memory_space<vmem>>, vector<704x1024xbf16>,
      %get3A_45 = arith.constant 0 : index
      %get3A_46 = arith.constant 0 : index
      %get3A_47 = arith.constant 0 : index
      %get3A_48 = vector.load %arg4[%get3A_45, %get3A_46, %get3A_47] : memref<1x704x1024xf32, #tpu.memory_space<vmem>>, vector<1x704x1024xf32>
      %get3A_49 = vector.shape_cast %get3A_48 : vector<1x704x1024xf32> to vector<704x1024xf32>
      %convert_element_type3A_50 = arith.truncf %get3A_49 : vector<704x1024xf32> to vector<704x1024xbf16>
      %swap3A_51 = arith.constant 0 : index
      %swap3A_52 = arith.constant 0 : index
      %swap3A_53 = vector.load %arg8[%swap3A_51, %swap3A_52] : memref<704x1024xbf16, #tpu.memory_space<vmem>>, vector<704x1024xbf16>
      tpu.vector_store %arg8[%swap3A_51, %swap3A_52], %convert_element_type3A_50 {strides = array<i32>} : memref<704x1024xbf16, #tpu.memory_space<vmem>>, vector<704x1024xbf16>,
    } else {
    }
    %get3A = arith.constant 0 : index
    %get3A_2 = arith.constant 0 : index
    %get3A_3 = vector.load %arg1[%get3A, %get3A_2] : memref<256x1024xf32, #tpu.memory_space<vmem>>, vector<256x1024xf32>
    %convert_element_type3A_4 = arith.truncf %get3A_3 : vector<256x1024xf32> to vector<256x1024xbf16>
    %get3A_5 = arith.constant 0 : index
    %get3A_6 = arith.constant 0 : index
    %get3A_7 = vector.load %arg6[%get3A_5, %get3A_6] : memref<704x1024xbf16, #tpu.memory_space<vmem>>, vector<704x1024xbf16>
    %dot_general3A = arith.constant dense<0.000000e+00> : vector<256x704xf32>
    %dot_general3A_8 = tpu.matmul %convert_element_type3A_4, %get3A_7, %dot_general3A {dimension_numbers = #tpu.dot_dimension_numbers<[1], [1], [0], [0], [0, 0, 1, 0], [], []>, transpose_lhs_hint = false} : vector<256x1024xbf16>, vector<704x1024xbf16>, vector<256x704xf32> -> vector<256x704xf32>
    %get3A_9 = arith.constant 0 : index
    %get3A_10 = arith.constant 0 : index
    %get3A_11 = vector.load %arg8[%get3A_9, %get3A_10] : memref<704x1024xbf16, #tpu.memory_space<vmem>>, vector<704x1024xbf16>
    %dot_general3A_12 = arith.constant dense<0.000000e+00> : vector<256x704xf32>
    %dot_general3A_13 = tpu.matmul %convert_element_type3A_4, %get3A_11, %dot_general3A_12 {dimension_numbers = #tpu.dot_dimension_numbers<[1], [1], [0], [0], [0, 0, 1, 0], [], []>, transpose_lhs_hint = false} : vector<256x1024xbf16>, vector<704x1024xbf16>, vector<256x704xf32> -> vector<256x704xf32>
    %neg3A = arith.constant 0.000000e+00 : f32
    %neg3A_14 = vector.broadcast %neg3A : f32 to vector<256x704xf32>
    %neg3A_15 = arith.subf %neg3A_14, %dot_general3A_8 : vector<256x704xf32>
    %exp3A = math.exp %neg3A_15 : vector<256x704xf32>
    %add3A = arith.constant 1.000000e+00 : f32
    %add3A_16 = vector.broadcast %add3A : f32 to vector<256x704xf32>
    %add3A_17 = arith.addf %add3A_16, %exp3A : vector<256x704xf32>
    %div3A = arith.divf %dot_general3A_8, %add3A_17 : vector<256x704xf32>
    %mul3A = arith.mulf %div3A, %dot_general3A_13 : vector<256x704xf32>
    %convert_element_type3A_18 = arith.truncf %mul3A : vector<256x704xf32> to vector<256x704xbf16>
    %get3A_19 = arith.constant 0 : index
    %get3A_20 = arith.constant 0 : index
    %get3A_21 = vector.load %arg7[%get3A_19, %get3A_20] : memref<704x1024xbf16, #tpu.memory_space<vmem>>, vector<704x1024xbf16>
    %dot_general3A_22 = arith.constant dense<0.000000e+00> : vector<256x1024xf32>
    %dot_general3A_23 = tpu.matmul %convert_element_type3A_18, %get3A_21, %dot_general3A_22 {dimension_numbers = #tpu.dot_dimension_numbers<[1], [0], [0], [1], [0, 0, 1, 1], [], []>, transpose_lhs_hint = false} : vector<256x704xbf16>, vector<704x1024xbf16>, vector<256x1024xf32> -> vector<256x1024xf32>
    %convert_element_type3A_24 = arith.truncf %dot_general3A_23 : vector<256x1024xf32> to vector<256x1024xbf16>
    %swap3A = arith.constant 0 : index
    %swap3A_25 = arith.constant 0 : index
    %swap3A_26 = vector.load %arg5[%swap3A, %swap3A_25] : memref<256x1024xbf16, #tpu.memory_space<vmem>>, vector<256x1024xbf16>
    tpu.vector_store %arg5[%swap3A, %swap3A_25], %convert_element_type3A_24 {strides = array<i32>} : memref<256x1024xbf16, #tpu.memory_space<vmem>>, vector<256x1024xbf16>,
    return
  }
  func.func @transform_0(%arg0: i32) -> (i32, i32) {
    %c0_i32 = arith.constant 0 : i32
    %c0_i32_0 = arith.constant 0 : i32
    return %arg0, %c0_i32 : i32, i32
  }
  func.func @transform_1(%arg0: i32) -> (i32, i32, i32) {
    %c0_i32 = arith.constant 0 : i32
    %c0_i32_0 = arith.constant 0 : i32
    %c0_i32_1 = arith.constant 0 : i32
    %c0_i32_2 = arith.constant 0 : i32
    return %c0_i32, %c0_i32_0, %c0_i32_1 : i32, i32, i32
  }
  func.func @transform_2(%arg0: i32) -> (i32, i32, i32) {
    %c0_i32 = arith.constant 0 : i32
    %c0_i32_0 = arith.constant 0 : i32
    %c0_i32_1 = arith.constant 0 : i32
    %c0_i32_2 = arith.constant 0 : i32
    return %c0_i32, %c0_i32_0, %c0_i32_1 : i32, i32, i32
  }
  func.func @transform_3(%arg0: i32) -> (i32, i32, i32) {
    %c0_i32 = arith.constant 0 : i32
    %c0_i32_0 = arith.constant 0 : i32
    %c0_i32_1 = arith.constant 0 : i32
    %c0_i32_2 = arith.constant 0 : i32
    return %c0_i32, %c0_i32_0, %c0_i32_1 : i32, i32, i32
  }
  func.func @transform_4(%arg0: i32) -> (i32, i32) {
    %c0_i32 = arith.constant 0 : i32
    %c0_i32_0 = arith.constant 0 : i32
    return %arg0, %c0_i32 : i32, i32
  }
}

module attributes {stable_mosaic.version = 14 : i64} {
  func.func @_gate_body(%arg0: memref<2048x1024xf32, #tpu.memory_space<vmem>>, %arg1: memref<8x1024xf32, #tpu.memory_space<vmem>>, %arg2: memref<1x8xf32, #tpu.memory_space<vmem>>, %arg3: memref<2x2048xi32, #tpu.memory_space<vmem>>, %arg4: memref<2048x8xf32, #tpu.memory_space<vmem>>, %arg5: memref<2048x8xf32, #tpu.memory_space<vmem>>, %arg6: memref<1x64xi32, #tpu.memory_space<vmem>>, %arg7: memref<1x64xi32, #tpu.memory_space<vmem>>, %arg8: memref<1x64xi32, #tpu.memory_space<vmem>>) attributes {dimension_semantics = [], scalar_prefetch = 0 : i64, scratch_operands = 0 : i64, tpu.core_type = #tpu.core_type<tc>} {
    %get3A = arith.constant 0 : index
    %get3A_0 = arith.constant 0 : index
    %get3A_1 = vector.load %arg0[%get3A, %get3A_0] : memref<2048x1024xf32, #tpu.memory_space<vmem>>, vector<2048x1024xf32>
    %get3A_2 = arith.constant 0 : index
    %get3A_3 = arith.constant 0 : index
    %get3A_4 = vector.load %arg1[%get3A_2, %get3A_3] : memref<8x1024xf32, #tpu.memory_space<vmem>>, vector<8x1024xf32>
    %dot_general3A = arith.constant dense<0.000000e+00> : vector<2048x8xf32>
    %dot_general3A_5 = tpu.matmul %get3A_1, %get3A_4, %dot_general3A {dimension_numbers = #tpu.dot_dimension_numbers<[1], [1], [0], [0], [0, 0, 1, 0], [], []>, transpose_lhs_hint = false} : vector<2048x1024xf32>, vector<8x1024xf32>, vector<2048x8xf32> -> vector<2048x8xf32>
    %neg3A = arith.constant 0.000000e+00 : f32
    %neg3A_6 = vector.broadcast %neg3A : f32 to vector<2048x8xf32>
    %neg3A_7 = arith.subf %neg3A_6, %dot_general3A_5 : vector<2048x8xf32>
    %exp3A = math.exp %neg3A_7 : vector<2048x8xf32>
    %add3A = arith.constant 1.000000e+00 : f32
    %add3A_8 = vector.broadcast %add3A : f32 to vector<2048x8xf32>
    %add3A_9 = arith.addf %add3A_8, %exp3A : vector<2048x8xf32>
    %div3A = arith.constant 1.000000e+00 : f32
    %div3A_10 = vector.broadcast %div3A : f32 to vector<2048x8xf32>
    %div3A_11 = arith.divf %div3A_10, %add3A_9 : vector<2048x8xf32>
    %get3A_12 = arith.constant 0 : index
    %get3A_13 = arith.constant 0 : index
    %get3A_14 = vector.load %arg2[%get3A_12, %get3A_13] : memref<1x8xf32, #tpu.memory_space<vmem>>, vector<1x8xf32>
    %add3A_15 = vector.broadcast %get3A_14 : vector<1x8xf32> to vector<2048x8xf32>
    %add3A_16 = arith.addf %div3A_11, %add3A_15 : vector<2048x8xf32>
    %iota3A = tpu.iota {dimensions = array<i32: 1>} : vector<2048x8xi32>
    %reduce_max3A = arith.constant dense<0xFF800000> : vector<2048xf32>
    %reduce_max3A_17 = vector.multi_reduction <maximumf>, %add3A_16, %reduce_max3A [1] : vector<2048x8xf32> to vector<2048xf32>
    %broadcast_in_dim3A = vector.shape_cast %reduce_max3A_17 : vector<2048xf32> to vector<2048x1xf32>
    %ge3A = vector.broadcast %broadcast_in_dim3A : vector<2048x1xf32> to vector<2048x8xf32>
    %ge3A_18 = arith.cmpf oge, %add3A_16, %ge3A : vector<2048x8xf32>
    %jit3A = arith.constant 8 : i32
    %broadcast_in_dim3A_19 = vector.broadcast %jit3A : i32 to vector<2048x8xi32>
    %select_n3A = arith.select %ge3A_18, %iota3A, %broadcast_in_dim3A_19 : vector<2048x8xi1>, vector<2048x8xi32>
    %reduce_min3A = arith.constant dense<2147483647> : vector<2048xi32>
    %reduce_min3A_20 = vector.multi_reduction <minsi>, %select_n3A, %reduce_min3A [1] : vector<2048x8xi32> to vector<2048xi32>
    %broadcast_in_dim3A_21 = vector.shape_cast %reduce_min3A_20 : vector<2048xi32> to vector<2048x1xi32>
    %eq3A = vector.broadcast %broadcast_in_dim3A_21 : vector<2048x1xi32> to vector<2048x8xi32>
    %eq3A_22 = arith.cmpi eq, %iota3A, %eq3A : vector<2048x8xi32>
    %convert_element_type3A = arith.extui %eq3A_22 : vector<2048x8xi1> to vector<2048x8xi32>
    %convert_element_type3A_23 = arith.sitofp %convert_element_type3A : vector<2048x8xi32> to vector<2048x8xf32>
    %mul3A = arith.mulf %convert_element_type3A_23, %div3A_11 : vector<2048x8xf32>
    %reduce_sum3A = arith.constant dense<0.000000e+00> : vector<2048xf32>
    %reduce_sum3A_24 = vector.multi_reduction <add>, %mul3A, %reduce_sum3A [1] : vector<2048x8xf32> to vector<2048xf32>
    %broadcast_in_dim3A_25 = vector.shape_cast %reduce_sum3A_24 : vector<2048xf32> to vector<2048x1xf32>
    %jit3A_26 = arith.constant 0xFF800000 : f32
    %broadcast_in_dim3A_27 = vector.broadcast %jit3A_26 : f32 to vector<2048x8xf32>
    %select_n3A_28 = arith.select %eq3A_22, %broadcast_in_dim3A_27, %add3A_16 : vector<2048x8xi1>, vector<2048x8xf32>
    %reduce_max3A_29 = arith.constant dense<0xFF800000> : vector<2048xf32>
    %reduce_max3A_30 = vector.multi_reduction <maximumf>, %select_n3A_28, %reduce_max3A_29 [1] : vector<2048x8xf32> to vector<2048xf32>
    %broadcast_in_dim3A_31 = vector.shape_cast %reduce_max3A_30 : vector<2048xf32> to vector<2048x1xf32>
    %ge3A_32 = vector.broadcast %broadcast_in_dim3A_31 : vector<2048x1xf32> to vector<2048x8xf32>
    %ge3A_33 = arith.cmpf oge, %select_n3A_28, %ge3A_32 : vector<2048x8xf32>
    %jit3A_34 = arith.constant 8 : i32
    %broadcast_in_dim3A_35 = vector.broadcast %jit3A_34 : i32 to vector<2048x8xi32>
    %select_n3A_36 = arith.select %ge3A_33, %iota3A, %broadcast_in_dim3A_35 : vector<2048x8xi1>, vector<2048x8xi32>
    %reduce_min3A_37 = arith.constant dense<2147483647> : vector<2048xi32>
    %reduce_min3A_38 = vector.multi_reduction <minsi>, %select_n3A_36, %reduce_min3A_37 [1] : vector<2048x8xi32> to vector<2048xi32>
    %broadcast_in_dim3A_39 = vector.shape_cast %reduce_min3A_38 : vector<2048xi32> to vector<2048x1xi32>
    %eq3A_40 = vector.broadcast %broadcast_in_dim3A_39 : vector<2048x1xi32> to vector<2048x8xi32>
    %eq3A_41 = arith.cmpi eq, %iota3A, %eq3A_40 : vector<2048x8xi32>
    %convert_element_type3A_42 = arith.extui %eq3A_41 : vector<2048x8xi1> to vector<2048x8xi32>
    %convert_element_type3A_43 = arith.sitofp %convert_element_type3A_42 : vector<2048x8xi32> to vector<2048x8xf32>
    %mul3A_44 = arith.mulf %convert_element_type3A_43, %div3A_11 : vector<2048x8xf32>
    %reduce_sum3A_45 = arith.constant dense<0.000000e+00> : vector<2048xf32>
    %reduce_sum3A_46 = vector.multi_reduction <add>, %mul3A_44, %reduce_sum3A_45 [1] : vector<2048x8xf32> to vector<2048xf32>
    %broadcast_in_dim3A_47 = vector.shape_cast %reduce_sum3A_46 : vector<2048xf32> to vector<2048x1xf32>
    %add3A_48 = arith.addf %broadcast_in_dim3A_25, %broadcast_in_dim3A_47 : vector<2048x1xf32>
    %max3A = arith.constant 1.000000e-10 : f32
    %max3A_49 = vector.broadcast %max3A : f32 to vector<2048x1xf32>
    %max3A_50 = arith.maximumf %add3A_48, %max3A_49 : vector<2048x1xf32>
    %div3A_51 = arith.divf %broadcast_in_dim3A_25, %max3A_50 : vector<2048x1xf32>
    %broadcast_in_dim3A_52 = vector.shape_cast %div3A_51 : vector<2048x1xf32> to vector<2048x1xf32>
    %broadcast_in_dim3A_53 = vector.broadcast %broadcast_in_dim3A_52 : vector<2048x1xf32> to vector<2048x8xf32>
    %swap3A = arith.constant 0 : index
    %swap3A_54 = arith.constant 0 : index
    %swap3A_55 = vector.load %arg4[%swap3A, %swap3A_54] : memref<2048x8xf32, #tpu.memory_space<vmem>>, vector<2048x8xf32>
    tpu.vector_store %arg4[%swap3A, %swap3A_54], %broadcast_in_dim3A_53 {strides = array<i32>} : memref<2048x8xf32, #tpu.memory_space<vmem>>, vector<2048x8xf32>,
    %div3A_56 = arith.divf %broadcast_in_dim3A_47, %max3A_50 : vector<2048x1xf32>
    %broadcast_in_dim3A_57 = vector.shape_cast %div3A_56 : vector<2048x1xf32> to vector<2048x1xf32>
    %broadcast_in_dim3A_58 = vector.broadcast %broadcast_in_dim3A_57 : vector<2048x1xf32> to vector<2048x8xf32>
    %swap3A_59 = arith.constant 0 : index
    %swap3A_60 = arith.constant 0 : index
    %swap3A_61 = vector.load %arg5[%swap3A_59, %swap3A_60] : memref<2048x8xf32, #tpu.memory_space<vmem>>, vector<2048x8xf32>
    tpu.vector_store %arg5[%swap3A_59, %swap3A_60], %broadcast_in_dim3A_58 {strides = array<i32>} : memref<2048x8xf32, #tpu.memory_space<vmem>>, vector<2048x8xf32>,
    %iota3A_62 = tpu.iota {dimensions = array<i32: 0>} : vector<256x256xi32>
    %iota3A_63 = tpu.iota {dimensions = array<i32: 1>} : vector<256x256xi32>
    %gt3A = arith.cmpi sgt, %iota3A_62, %iota3A_63 : vector<256x256xi32>
    %convert_element_type3A_64 = arith.extui %gt3A : vector<256x256xi1> to vector<256x256xi32>
    %convert_element_type3A_65 = arith.sitofp %convert_element_type3A_64 : vector<256x256xi32> to vector<256x256xf32>
    %iota3A_66 = tpu.iota {dimensions = array<i32: 0>} : vector<8x8xi32>
    %iota3A_67 = tpu.iota {dimensions = array<i32: 1>} : vector<8x8xi32>
    %gt3A_68 = arith.cmpi sgt, %iota3A_66, %iota3A_67 : vector<8x8xi32>
    %convert_element_type3A_69 = arith.extui %gt3A_68 : vector<8x8xi1> to vector<8x8xi32>
    %convert_element_type3A_70 = arith.sitofp %convert_element_type3A_69 : vector<8x8xi32> to vector<8x8xf32>
    %slice3A = vector.extract_strided_slice %convert_element_type3A_23 {offsets = [0, 0], sizes = [256, 8], strides = [1, 1]} : vector<2048x8xf32> to vector<256x8xf32>
    %dot_general3A_71 = arith.constant dense<0.000000e+00> : vector<256x8xf32>
    %dot_general3A_72 = tpu.matmul %convert_element_type3A_65, %slice3A, %dot_general3A_71 {dimension_numbers = #tpu.dot_dimension_numbers<[1], [0], [0], [1], [0, 0, 1, 1], [], []>, transpose_lhs_hint = false} : vector<256x256xf32>, vector<256x8xf32>, vector<256x8xf32> -> vector<256x8xf32>
    %reduce_sum3A_73 = arith.constant dense<0.000000e+00> : vector<8xf32>
    %reduce_sum3A_74 = vector.multi_reduction <add>, %slice3A, %reduce_sum3A_73 [0] : vector<256x8xf32> to vector<8xf32>
    %broadcast_in_dim3A_75 = vector.shape_cast %reduce_sum3A_74 : vector<8xf32> to vector<1x8xf32>
    %slice3A_76 = vector.extract_strided_slice %convert_element_type3A_23 {offsets = [256, 0], sizes = [256, 8], strides = [1, 1]} : vector<2048x8xf32> to vector<256x8xf32>
    %dot_general3A_77 = arith.constant dense<0.000000e+00> : vector<256x8xf32>
    %dot_general3A_78 = tpu.matmul %convert_element_type3A_65, %slice3A_76, %dot_general3A_77 {dimension_numbers = #tpu.dot_dimension_numbers<[1], [0], [0], [1], [0, 0, 1, 1], [], []>, transpose_lhs_hint = false} : vector<256x256xf32>, vector<256x8xf32>, vector<256x8xf32> -> vector<256x8xf32>
    %reduce_sum3A_79 = arith.constant dense<0.000000e+00> : vector<8xf32>
    %reduce_sum3A_80 = vector.multi_reduction <add>, %slice3A_76, %reduce_sum3A_79 [0] : vector<256x8xf32> to vector<8xf32>
    %broadcast_in_dim3A_81 = vector.shape_cast %reduce_sum3A_80 : vector<8xf32> to vector<1x8xf32>
    %slice3A_82 = vector.extract_strided_slice %convert_element_type3A_23 {offsets = [512, 0], sizes = [256, 8], strides = [1, 1]} : vector<2048x8xf32> to vector<256x8xf32>
    %dot_general3A_83 = arith.constant dense<0.000000e+00> : vector<256x8xf32>
    %dot_general3A_84 = tpu.matmul %convert_element_type3A_65, %slice3A_82, %dot_general3A_83 {dimension_numbers = #tpu.dot_dimension_numbers<[1], [0], [0], [1], [0, 0, 1, 1], [], []>, transpose_lhs_hint = false} : vector<256x256xf32>, vector<256x8xf32>, vector<256x8xf32> -> vector<256x8xf32>
    %reduce_sum3A_85 = arith.constant dense<0.000000e+00> : vector<8xf32>
    %reduce_sum3A_86 = vector.multi_reduction <add>, %slice3A_82, %reduce_sum3A_85 [0] : vector<256x8xf32> to vector<8xf32>
    %broadcast_in_dim3A_87 = vector.shape_cast %reduce_sum3A_86 : vector<8xf32> to vector<1x8xf32>
    %slice3A_88 = vector.extract_strided_slice %convert_element_type3A_23 {offsets = [768, 0], sizes = [256, 8], strides = [1, 1]} : vector<2048x8xf32> to vector<256x8xf32>
    %dot_general3A_89 = arith.constant dense<0.000000e+00> : vector<256x8xf32>
    %dot_general3A_90 = tpu.matmul %convert_element_type3A_65, %slice3A_88, %dot_general3A_89 {dimension_numbers = #tpu.dot_dimension_numbers<[1], [0], [0], [1], [0, 0, 1, 1], [], []>, transpose_lhs_hint = false} : vector<256x256xf32>, vector<256x8xf32>, vector<256x8xf32> -> vector<256x8xf32>
    %reduce_sum3A_91 = arith.constant dense<0.000000e+00> : vector<8xf32>
    %reduce_sum3A_92 = vector.multi_reduction <add>, %slice3A_88, %reduce_sum3A_91 [0] : vector<256x8xf32> to vector<8xf32>
    %broadcast_in_dim3A_93 = vector.shape_cast %reduce_sum3A_92 : vector<8xf32> to vector<1x8xf32>
    %slice3A_94 = vector.extract_strided_slice %convert_element_type3A_23 {offsets = [1024, 0], sizes = [256, 8], strides = [1, 1]} : vector<2048x8xf32> to vector<256x8xf32>
    %dot_general3A_95 = arith.constant dense<0.000000e+00> : vector<256x8xf32>
    %dot_general3A_96 = tpu.matmul %convert_element_type3A_65, %slice3A_94, %dot_general3A_95 {dimension_numbers = #tpu.dot_dimension_numbers<[1], [0], [0], [1], [0, 0, 1, 1], [], []>, transpose_lhs_hint = false} : vector<256x256xf32>, vector<256x8xf32>, vector<256x8xf32> -> vector<256x8xf32>
    %reduce_sum3A_97 = arith.constant dense<0.000000e+00> : vector<8xf32>
    %reduce_sum3A_98 = vector.multi_reduction <add>, %slice3A_94, %reduce_sum3A_97 [0] : vector<256x8xf32> to vector<8xf32>
    %broadcast_in_dim3A_99 = vector.shape_cast %reduce_sum3A_98 : vector<8xf32> to vector<1x8xf32>
    %slice3A_100 = vector.extract_strided_slice %convert_element_type3A_23 {offsets = [1280, 0], sizes = [256, 8], strides = [1, 1]} : vector<2048x8xf32> to vector<256x8xf32>
    %dot_general3A_101 = arith.constant dense<0.000000e+00> : vector<256x8xf32>
    %dot_general3A_102 = tpu.matmul %convert_element_type3A_65, %slice3A_100, %dot_general3A_101 {dimension_numbers = #tpu.dot_dimension_numbers<[1], [0], [0], [1], [0, 0, 1, 1], [], []>, transpose_lhs_hint = false} : vector<256x256xf32>, vector<256x8xf32>, vector<256x8xf32> -> vector<256x8xf32>
    %reduce_sum3A_103 = arith.constant dense<0.000000e+00> : vector<8xf32>
    %reduce_sum3A_104 = vector.multi_reduction <add>, %slice3A_100, %reduce_sum3A_103 [0] : vector<256x8xf32> to vector<8xf32>
    %broadcast_in_dim3A_105 = vector.shape_cast %reduce_sum3A_104 : vector<8xf32> to vector<1x8xf32>
    %slice3A_106 = vector.extract_strided_slice %convert_element_type3A_23 {offsets = [1536, 0], sizes = [256, 8], strides = [1, 1]} : vector<2048x8xf32> to vector<256x8xf32>
    %dot_general3A_107 = arith.constant dense<0.000000e+00> : vector<256x8xf32>
    %dot_general3A_108 = tpu.matmul %convert_element_type3A_65, %slice3A_106, %dot_general3A_107 {dimension_numbers = #tpu.dot_dimension_numbers<[1], [0], [0], [1], [0, 0, 1, 1], [], []>, transpose_lhs_hint = false} : vector<256x256xf32>, vector<256x8xf32>, vector<256x8xf32> -> vector<256x8xf32>
    %reduce_sum3A_109 = arith.constant dense<0.000000e+00> : vector<8xf32>
    %reduce_sum3A_110 = vector.multi_reduction <add>, %slice3A_106, %reduce_sum3A_109 [0] : vector<256x8xf32> to vector<8xf32>
    %broadcast_in_dim3A_111 = vector.shape_cast %reduce_sum3A_110 : vector<8xf32> to vector<1x8xf32>
    %slice3A_112 = vector.extract_strided_slice %convert_element_type3A_23 {offsets = [1792, 0], sizes = [256, 8], strides = [1, 1]} : vector<2048x8xf32> to vector<256x8xf32>
    %dot_general3A_113 = arith.constant dense<0.000000e+00> : vector<256x8xf32>
    %dot_general3A_114 = tpu.matmul %convert_element_type3A_65, %slice3A_112, %dot_general3A_113 {dimension_numbers = #tpu.dot_dimension_numbers<[1], [0], [0], [1], [0, 0, 1, 1], [], []>, transpose_lhs_hint = false} : vector<256x256xf32>, vector<256x8xf32>, vector<256x8xf32> -> vector<256x8xf32>
    %reduce_sum3A_115 = arith.constant dense<0.000000e+00> : vector<8xf32>
    %reduce_sum3A_116 = vector.multi_reduction <add>, %slice3A_112, %reduce_sum3A_115 [0] : vector<256x8xf32> to vector<8xf32>
    %broadcast_in_dim3A_117 = vector.shape_cast %reduce_sum3A_116 : vector<8xf32> to vector<1x8xf32>
    %concatenate3A = tpu.concatenate %broadcast_in_dim3A_75, %broadcast_in_dim3A_81, %broadcast_in_dim3A_87, %broadcast_in_dim3A_93, %broadcast_in_dim3A_99, %broadcast_in_dim3A_105, %broadcast_in_dim3A_111, %broadcast_in_dim3A_117 in 0 : vector<1x8xf32>, vector<1x8xf32>, vector<1x8xf32>, vector<1x8xf32>, vector<1x8xf32>, vector<1x8xf32>, vector<1x8xf32>, vector<1x8xf32> -> vector<8x8xf32>
    %dot_general3A_118 = arith.constant dense<0.000000e+00> : vector<8x8xf32>
    %dot_general3A_119 = tpu.matmul %convert_element_type3A_70, %concatenate3A, %dot_general3A_118 {dimension_numbers = #tpu.dot_dimension_numbers<[1], [0], [0], [1], [0, 0, 1, 1], [], []>, transpose_lhs_hint = false} : vector<8x8xf32>, vector<8x8xf32>, vector<8x8xf32> -> vector<8x8xf32>
    %slice3A_120 = vector.extract_strided_slice %dot_general3A_119 {offsets = [0, 0], sizes = [1, 8], strides = [1, 1]} : vector<8x8xf32> to vector<1x8xf32>
    %add3A_121 = vector.broadcast %slice3A_120 : vector<1x8xf32> to vector<256x8xf32>
    %add3A_122 = arith.addf %dot_general3A_72, %add3A_121 : vector<256x8xf32>
    %slice3A_123 = vector.extract_strided_slice %dot_general3A_119 {offsets = [1, 0], sizes = [1, 8], strides = [1, 1]} : vector<8x8xf32> to vector<1x8xf32>
    %add3A_124 = vector.broadcast %slice3A_123 : vector<1x8xf32> to vector<256x8xf32>
    %add3A_125 = arith.addf %dot_general3A_78, %add3A_124 : vector<256x8xf32>
    %slice3A_126 = vector.extract_strided_slice %dot_general3A_119 {offsets = [2, 0], sizes = [1, 8], strides = [1, 1]} : vector<8x8xf32> to vector<1x8xf32>
    %add3A_127 = vector.broadcast %slice3A_126 : vector<1x8xf32> to vector<256x8xf32>
    %add3A_128 = arith.addf %dot_general3A_84, %add3A_127 : vector<256x8xf32>
    %slice3A_129 = vector.extract_strided_slice %dot_general3A_119 {offsets = [3, 0], sizes = [1, 8], strides = [1, 1]} : vector<8x8xf32> to vector<1x8xf32>
    %add3A_130 = vector.broadcast %slice3A_129 : vector<1x8xf32> to vector<256x8xf32>
    %add3A_131 = arith.addf %dot_general3A_90, %add3A_130 : vector<256x8xf32>
    %slice3A_132 = vector.extract_strided_slice %dot_general3A_119 {offsets = [4, 0], sizes = [1, 8], strides = [1, 1]} : vector<8x8xf32> to vector<1x8xf32>
    %add3A_133 = vector.broadcast %slice3A_132 : vector<1x8xf32> to vector<256x8xf32>
    %add3A_134 = arith.addf %dot_general3A_96, %add3A_133 : vector<256x8xf32>
    %slice3A_135 = vector.extract_strided_slice %dot_general3A_119 {offsets = [5, 0], sizes = [1, 8], strides = [1, 1]} : vector<8x8xf32> to vector<1x8xf32>
    %add3A_136 = vector.broadcast %slice3A_135 : vector<1x8xf32> to vector<256x8xf32>
    %add3A_137 = arith.addf %dot_general3A_102, %add3A_136 : vector<256x8xf32>
    %slice3A_138 = vector.extract_strided_slice %dot_general3A_119 {offsets = [6, 0], sizes = [1, 8], strides = [1, 1]} : vector<8x8xf32> to vector<1x8xf32>
    %add3A_139 = vector.broadcast %slice3A_138 : vector<1x8xf32> to vector<256x8xf32>
    %add3A_140 = arith.addf %dot_general3A_108, %add3A_139 : vector<256x8xf32>
    %slice3A_141 = vector.extract_strided_slice %dot_general3A_119 {offsets = [7, 0], sizes = [1, 8], strides = [1, 1]} : vector<8x8xf32> to vector<1x8xf32>
    %add3A_142 = vector.broadcast %slice3A_141 : vector<1x8xf32> to vector<256x8xf32>
    %add3A_143 = arith.addf %dot_general3A_114, %add3A_142 : vector<256x8xf32>
    %concatenate3A_144 = tpu.concatenate %add3A_122, %add3A_125, %add3A_128, %add3A_131, %add3A_134, %add3A_137, %add3A_140, %add3A_143 in 0 : vector<256x8xf32>, vector<256x8xf32>, vector<256x8xf32>, vector<256x8xf32>, vector<256x8xf32>, vector<256x8xf32>, vector<256x8xf32>, vector<256x8xf32> -> vector<2048x8xf32>
    %slice3A_145 = vector.extract_strided_slice %convert_element_type3A_43 {offsets = [0, 0], sizes = [256, 8], strides = [1, 1]} : vector<2048x8xf32> to vector<256x8xf32>
    %dot_general3A_146 = arith.constant dense<0.000000e+00> : vector<256x8xf32>
    %dot_general3A_147 = tpu.matmul %convert_element_type3A_65, %slice3A_145, %dot_general3A_146 {dimension_numbers = #tpu.dot_dimension_numbers<[1], [0], [0], [1], [0, 0, 1, 1], [], []>, transpose_lhs_hint = false} : vector<256x256xf32>, vector<256x8xf32>, vector<256x8xf32> -> vector<256x8xf32>
    %reduce_sum3A_148 = arith.constant dense<0.000000e+00> : vector<8xf32>
    %reduce_sum3A_149 = vector.multi_reduction <add>, %slice3A_145, %reduce_sum3A_148 [0] : vector<256x8xf32> to vector<8xf32>
    %broadcast_in_dim3A_150 = vector.shape_cast %reduce_sum3A_149 : vector<8xf32> to vector<1x8xf32>
    %slice3A_151 = vector.extract_strided_slice %convert_element_type3A_43 {offsets = [256, 0], sizes = [256, 8], strides = [1, 1]} : vector<2048x8xf32> to vector<256x8xf32>
    %dot_general3A_152 = arith.constant dense<0.000000e+00> : vector<256x8xf32>
    %dot_general3A_153 = tpu.matmul %convert_element_type3A_65, %slice3A_151, %dot_general3A_152 {dimension_numbers = #tpu.dot_dimension_numbers<[1], [0], [0], [1], [0, 0, 1, 1], [], []>, transpose_lhs_hint = false} : vector<256x256xf32>, vector<256x8xf32>, vector<256x8xf32> -> vector<256x8xf32>
    %reduce_sum3A_154 = arith.constant dense<0.000000e+00> : vector<8xf32>
    %reduce_sum3A_155 = vector.multi_reduction <add>, %slice3A_151, %reduce_sum3A_154 [0] : vector<256x8xf32> to vector<8xf32>
    %broadcast_in_dim3A_156 = vector.shape_cast %reduce_sum3A_155 : vector<8xf32> to vector<1x8xf32>
    %slice3A_157 = vector.extract_strided_slice %convert_element_type3A_43 {offsets = [512, 0], sizes = [256, 8], strides = [1, 1]} : vector<2048x8xf32> to vector<256x8xf32>
    %dot_general3A_158 = arith.constant dense<0.000000e+00> : vector<256x8xf32>
    %dot_general3A_159 = tpu.matmul %convert_element_type3A_65, %slice3A_157, %dot_general3A_158 {dimension_numbers = #tpu.dot_dimension_numbers<[1], [0], [0], [1], [0, 0, 1, 1], [], []>, transpose_lhs_hint = false} : vector<256x256xf32>, vector<256x8xf32>, vector<256x8xf32> -> vector<256x8xf32>
    %reduce_sum3A_160 = arith.constant dense<0.000000e+00> : vector<8xf32>
    %reduce_sum3A_161 = vector.multi_reduction <add>, %slice3A_157, %reduce_sum3A_160 [0] : vector<256x8xf32> to vector<8xf32>
    %broadcast_in_dim3A_162 = vector.shape_cast %reduce_sum3A_161 : vector<8xf32> to vector<1x8xf32>
    %slice3A_163 = vector.extract_strided_slice %convert_element_type3A_43 {offsets = [768, 0], sizes = [256, 8], strides = [1, 1]} : vector<2048x8xf32> to vector<256x8xf32>
    %dot_general3A_164 = arith.constant dense<0.000000e+00> : vector<256x8xf32>
    %dot_general3A_165 = tpu.matmul %convert_element_type3A_65, %slice3A_163, %dot_general3A_164 {dimension_numbers = #tpu.dot_dimension_numbers<[1], [0], [0], [1], [0, 0, 1, 1], [], []>, transpose_lhs_hint = false} : vector<256x256xf32>, vector<256x8xf32>, vector<256x8xf32> -> vector<256x8xf32>
    %reduce_sum3A_166 = arith.constant dense<0.000000e+00> : vector<8xf32>
    %reduce_sum3A_167 = vector.multi_reduction <add>, %slice3A_163, %reduce_sum3A_166 [0] : vector<256x8xf32> to vector<8xf32>
    %broadcast_in_dim3A_168 = vector.shape_cast %reduce_sum3A_167 : vector<8xf32> to vector<1x8xf32>
    %slice3A_169 = vector.extract_strided_slice %convert_element_type3A_43 {offsets = [1024, 0], sizes = [256, 8], strides = [1, 1]} : vector<2048x8xf32> to vector<256x8xf32>
    %dot_general3A_170 = arith.constant dense<0.000000e+00> : vector<256x8xf32>
    %dot_general3A_171 = tpu.matmul %convert_element_type3A_65, %slice3A_169, %dot_general3A_170 {dimension_numbers = #tpu.dot_dimension_numbers<[1], [0], [0], [1], [0, 0, 1, 1], [], []>, transpose_lhs_hint = false} : vector<256x256xf32>, vector<256x8xf32>, vector<256x8xf32> -> vector<256x8xf32>
    %reduce_sum3A_172 = arith.constant dense<0.000000e+00> : vector<8xf32>
    %reduce_sum3A_173 = vector.multi_reduction <add>, %slice3A_169, %reduce_sum3A_172 [0] : vector<256x8xf32> to vector<8xf32>
    %broadcast_in_dim3A_174 = vector.shape_cast %reduce_sum3A_173 : vector<8xf32> to vector<1x8xf32>
    %slice3A_175 = vector.extract_strided_slice %convert_element_type3A_43 {offsets = [1280, 0], sizes = [256, 8], strides = [1, 1]} : vector<2048x8xf32> to vector<256x8xf32>
    %dot_general3A_176 = arith.constant dense<0.000000e+00> : vector<256x8xf32>
    %dot_general3A_177 = tpu.matmul %convert_element_type3A_65, %slice3A_175, %dot_general3A_176 {dimension_numbers = #tpu.dot_dimension_numbers<[1], [0], [0], [1], [0, 0, 1, 1], [], []>, transpose_lhs_hint = false} : vector<256x256xf32>, vector<256x8xf32>, vector<256x8xf32> -> vector<256x8xf32>
    %reduce_sum3A_178 = arith.constant dense<0.000000e+00> : vector<8xf32>
    %reduce_sum3A_179 = vector.multi_reduction <add>, %slice3A_175, %reduce_sum3A_178 [0] : vector<256x8xf32> to vector<8xf32>
    %broadcast_in_dim3A_180 = vector.shape_cast %reduce_sum3A_179 : vector<8xf32> to vector<1x8xf32>
    %slice3A_181 = vector.extract_strided_slice %convert_element_type3A_43 {offsets = [1536, 0], sizes = [256, 8], strides = [1, 1]} : vector<2048x8xf32> to vector<256x8xf32>
    %dot_general3A_182 = arith.constant dense<0.000000e+00> : vector<256x8xf32>
    %dot_general3A_183 = tpu.matmul %convert_element_type3A_65, %slice3A_181, %dot_general3A_182 {dimension_numbers = #tpu.dot_dimension_numbers<[1], [0], [0], [1], [0, 0, 1, 1], [], []>, transpose_lhs_hint = false} : vector<256x256xf32>, vector<256x8xf32>, vector<256x8xf32> -> vector<256x8xf32>
    %reduce_sum3A_184 = arith.constant dense<0.000000e+00> : vector<8xf32>
    %reduce_sum3A_185 = vector.multi_reduction <add>, %slice3A_181, %reduce_sum3A_184 [0] : vector<256x8xf32> to vector<8xf32>
    %broadcast_in_dim3A_186 = vector.shape_cast %reduce_sum3A_185 : vector<8xf32> to vector<1x8xf32>
    %slice3A_187 = vector.extract_strided_slice %convert_element_type3A_43 {offsets = [1792, 0], sizes = [256, 8], strides = [1, 1]} : vector<2048x8xf32> to vector<256x8xf32>
    %dot_general3A_188 = arith.constant dense<0.000000e+00> : vector<256x8xf32>
    %dot_general3A_189 = tpu.matmul %convert_element_type3A_65, %slice3A_187, %dot_general3A_188 {dimension_numbers = #tpu.dot_dimension_numbers<[1], [0], [0], [1], [0, 0, 1, 1], [], []>, transpose_lhs_hint = false} : vector<256x256xf32>, vector<256x8xf32>, vector<256x8xf32> -> vector<256x8xf32>
    %reduce_sum3A_190 = arith.constant dense<0.000000e+00> : vector<8xf32>
    %reduce_sum3A_191 = vector.multi_reduction <add>, %slice3A_187, %reduce_sum3A_190 [0] : vector<256x8xf32> to vector<8xf32>
    %broadcast_in_dim3A_192 = vector.shape_cast %reduce_sum3A_191 : vector<8xf32> to vector<1x8xf32>
    %concatenate3A_193 = tpu.concatenate %broadcast_in_dim3A_150, %broadcast_in_dim3A_156, %broadcast_in_dim3A_162, %broadcast_in_dim3A_168, %broadcast_in_dim3A_174, %broadcast_in_dim3A_180, %broadcast_in_dim3A_186, %broadcast_in_dim3A_192 in 0 : vector<1x8xf32>, vector<1x8xf32>, vector<1x8xf32>, vector<1x8xf32>, vector<1x8xf32>, vector<1x8xf32>, vector<1x8xf32>, vector<1x8xf32> -> vector<8x8xf32>
    %dot_general3A_194 = arith.constant dense<0.000000e+00> : vector<8x8xf32>
    %dot_general3A_195 = tpu.matmul %convert_element_type3A_70, %concatenate3A_193, %dot_general3A_194 {dimension_numbers = #tpu.dot_dimension_numbers<[1], [0], [0], [1], [0, 0, 1, 1], [], []>, transpose_lhs_hint = false} : vector<8x8xf32>, vector<8x8xf32>, vector<8x8xf32> -> vector<8x8xf32>
    %slice3A_196 = vector.extract_strided_slice %dot_general3A_195 {offsets = [0, 0], sizes = [1, 8], strides = [1, 1]} : vector<8x8xf32> to vector<1x8xf32>
    %add3A_197 = vector.broadcast %slice3A_196 : vector<1x8xf32> to vector<256x8xf32>
    %add3A_198 = arith.addf %dot_general3A_147, %add3A_197 : vector<256x8xf32>
    %slice3A_199 = vector.extract_strided_slice %dot_general3A_195 {offsets = [1, 0], sizes = [1, 8], strides = [1, 1]} : vector<8x8xf32> to vector<1x8xf32>
    %add3A_200 = vector.broadcast %slice3A_199 : vector<1x8xf32> to vector<256x8xf32>
    %add3A_201 = arith.addf %dot_general3A_153, %add3A_200 : vector<256x8xf32>
    %slice3A_202 = vector.extract_strided_slice %dot_general3A_195 {offsets = [2, 0], sizes = [1, 8], strides = [1, 1]} : vector<8x8xf32> to vector<1x8xf32>
    %add3A_203 = vector.broadcast %slice3A_202 : vector<1x8xf32> to vector<256x8xf32>
    %add3A_204 = arith.addf %dot_general3A_159, %add3A_203 : vector<256x8xf32>
    %slice3A_205 = vector.extract_strided_slice %dot_general3A_195 {offsets = [3, 0], sizes = [1, 8], strides = [1, 1]} : vector<8x8xf32> to vector<1x8xf32>
    %add3A_206 = vector.broadcast %slice3A_205 : vector<1x8xf32> to vector<256x8xf32>
    %add3A_207 = arith.addf %dot_general3A_165, %add3A_206 : vector<256x8xf32>
    %slice3A_208 = vector.extract_strided_slice %dot_general3A_195 {offsets = [4, 0], sizes = [1, 8], strides = [1, 1]} : vector<8x8xf32> to vector<1x8xf32>
    %add3A_209 = vector.broadcast %slice3A_208 : vector<1x8xf32> to vector<256x8xf32>
    %add3A_210 = arith.addf %dot_general3A_171, %add3A_209 : vector<256x8xf32>
    %slice3A_211 = vector.extract_strided_slice %dot_general3A_195 {offsets = [5, 0], sizes = [1, 8], strides = [1, 1]} : vector<8x8xf32> to vector<1x8xf32>
    %add3A_212 = vector.broadcast %slice3A_211 : vector<1x8xf32> to vector<256x8xf32>
    %add3A_213 = arith.addf %dot_general3A_177, %add3A_212 : vector<256x8xf32>
    %slice3A_214 = vector.extract_strided_slice %dot_general3A_195 {offsets = [6, 0], sizes = [1, 8], strides = [1, 1]} : vector<8x8xf32> to vector<1x8xf32>
    %add3A_215 = vector.broadcast %slice3A_214 : vector<1x8xf32> to vector<256x8xf32>
    %add3A_216 = arith.addf %dot_general3A_183, %add3A_215 : vector<256x8xf32>
    %slice3A_217 = vector.extract_strided_slice %dot_general3A_195 {offsets = [7, 0], sizes = [1, 8], strides = [1, 1]} : vector<8x8xf32> to vector<1x8xf32>
    %add3A_218 = vector.broadcast %slice3A_217 : vector<1x8xf32> to vector<256x8xf32>
    %add3A_219 = arith.addf %dot_general3A_189, %add3A_218 : vector<256x8xf32>
    %concatenate3A_220 = tpu.concatenate %add3A_198, %add3A_201, %add3A_204, %add3A_207, %add3A_210, %add3A_213, %add3A_216, %add3A_219 in 0 : vector<256x8xf32>, vector<256x8xf32>, vector<256x8xf32>, vector<256x8xf32>, vector<256x8xf32>, vector<256x8xf32>, vector<256x8xf32>, vector<256x8xf32> -> vector<2048x8xf32>
    %reduce_sum3A_221 = arith.constant dense<0.000000e+00> : vector<8xf32>
    %reduce_sum3A_222 = vector.multi_reduction <add>, %concatenate3A, %reduce_sum3A_221 [0] : vector<8x8xf32> to vector<8xf32>
    %broadcast_in_dim3A_223 = vector.shape_cast %reduce_sum3A_222 : vector<8xf32> to vector<1x8xf32>
    %add3A_224 = vector.broadcast %broadcast_in_dim3A_223 : vector<1x8xf32> to vector<2048x8xf32>
    %add3A_225 = arith.addf %concatenate3A_220, %add3A_224 : vector<2048x8xf32>
    %reduce_sum3A_226 = arith.constant dense<0.000000e+00> : vector<8xf32>
    %reduce_sum3A_227 = vector.multi_reduction <add>, %concatenate3A_193, %reduce_sum3A_226 [0] : vector<8x8xf32> to vector<8xf32>
    %broadcast_in_dim3A_228 = vector.shape_cast %reduce_sum3A_227 : vector<8xf32> to vector<1x8xf32>
    %add3A_229 = arith.addf %broadcast_in_dim3A_223, %broadcast_in_dim3A_228 : vector<1x8xf32>
    %convert_element_type3A_230 = arith.fptosi %add3A_229 : vector<1x8xf32> to vector<1x8xi32>
    %add3A_231 = arith.constant 255 : i32
    %add3A_232 = vector.broadcast %add3A_231 : i32 to vector<1x8xi32>
    %add3A_233 = arith.addi %convert_element_type3A_230, %add3A_232 : vector<1x8xi32>
    %jit3A_234 = arith.constant 256 : i32
    %div3A_235 = vector.broadcast %jit3A_234 : i32 to vector<1x8xi32>
    %div3A_236 = arith.divsi %add3A_233, %div3A_235 : vector<1x8xi32>
    %sign3A = arith.constant 0 : i32
    %sign3A_237 = vector.broadcast %sign3A : i32 to vector<1x8xi32>
    %sign3A_238 = arith.cmpi sgt, %add3A_233, %sign3A_237 : vector<1x8xi32>
    %sign3A_239 = arith.extui %sign3A_238 : vector<1x8xi1> to vector<1x8xi32>
    %sign3A_240 = arith.constant 0 : i32
    %sign3A_241 = vector.broadcast %sign3A_240 : i32 to vector<1x8xi32>
    %sign3A_242 = arith.cmpi slt, %add3A_233, %sign3A_241 : vector<1x8xi32>
    %sign3A_243 = arith.extui %sign3A_242 : vector<1x8xi1> to vector<1x8xi32>
    %sign3A_244 = arith.subi %sign3A_239, %sign3A_243 : vector<1x8xi32>
    %sign3A_245 = arith.constant 0 : i32
    %sign3A_246 = arith.cmpi sgt, %jit3A_234, %sign3A_245 : i32
    %sign3A_247 = arith.extui %sign3A_246 : i1 to i32
    %sign3A_248 = arith.constant 0 : i32
    %sign3A_249 = arith.cmpi slt, %jit3A_234, %sign3A_248 : i32
    %sign3A_250 = arith.extui %sign3A_249 : i1 to i32
    %sign3A_251 = arith.subi %sign3A_247, %sign3A_250 : i32
    %ne3A = vector.broadcast %sign3A_251 : i32 to vector<1x8xi32>
    %ne3A_252 = arith.cmpi ne, %sign3A_244, %ne3A : vector<1x8xi32>
    %rem3A = vector.broadcast %jit3A_234 : i32 to vector<1x8xi32>
    %rem3A_253 = arith.remsi %add3A_233, %rem3A : vector<1x8xi32>
    %ne3A_254 = arith.constant 0 : i32
    %ne3A_255 = vector.broadcast %ne3A_254 : i32 to vector<1x8xi32>
    %ne3A_256 = arith.cmpi ne, %rem3A_253, %ne3A_255 : vector<1x8xi32>
    %and3A = arith.andi %ne3A_252, %ne3A_256 : vector<1x8xi1>
    %sub3A = arith.constant 1 : i32
    %sub3A_257 = vector.broadcast %sub3A : i32 to vector<1x8xi32>
    %sub3A_258 = arith.subi %div3A_236, %sub3A_257 : vector<1x8xi32>
    %select_n3A_259 = arith.select %and3A, %sub3A_258, %div3A_236 : vector<1x8xi1>, vector<1x8xi32>
    %mul3A_260 = arith.constant 256 : i32
    %mul3A_261 = vector.broadcast %mul3A_260 : i32 to vector<1x8xi32>
    %mul3A_262 = arith.muli %select_n3A_259, %mul3A_261 : vector<1x8xi32>
    %convert_element_type3A_263 = arith.sitofp %mul3A_262 : vector<1x8xi32> to vector<1x8xf32>
    %iota3A_264 = tpu.iota {dimensions = array<i32: 0>} : vector<8x8xi32>
    %iota3A_265 = tpu.iota {dimensions = array<i32: 1>} : vector<8x8xi32>
    %lt3A = arith.cmpi slt, %iota3A_264, %iota3A_265 : vector<8x8xi32>
    %convert_element_type3A_266 = arith.extui %lt3A : vector<8x8xi1> to vector<8x8xi32>
    %convert_element_type3A_267 = arith.sitofp %convert_element_type3A_266 : vector<8x8xi32> to vector<8x8xf32>
    %dot_general3A_268 = arith.constant dense<0.000000e+00> : vector<1x8xf32>
    %dot_general3A_269 = tpu.matmul %convert_element_type3A_263, %convert_element_type3A_267, %dot_general3A_268 {dimension_numbers = #tpu.dot_dimension_numbers<[1], [0], [0], [1], [0, 0, 1, 1], [], []>, transpose_lhs_hint = false} : vector<1x8xf32>, vector<8x8xf32>, vector<1x8xf32> -> vector<1x8xf32>
    %add3A_270 = vector.broadcast %dot_general3A_269 : vector<1x8xf32> to vector<2048x8xf32>
    %add3A_271 = arith.addf %add3A_270, %concatenate3A_144 : vector<2048x8xf32>
    %mul3A_272 = arith.mulf %convert_element_type3A_23, %add3A_271 : vector<2048x8xf32>
    %reduce_sum3A_273 = arith.constant dense<0.000000e+00> : vector<2048xf32>
    %reduce_sum3A_274 = vector.multi_reduction <add>, %mul3A_272, %reduce_sum3A_273 [1] : vector<2048x8xf32> to vector<2048xf32>
    %add3A_275 = vector.broadcast %dot_general3A_269 : vector<1x8xf32> to vector<2048x8xf32>
    %add3A_276 = arith.addf %add3A_275, %add3A_225 : vector<2048x8xf32>
    %mul3A_277 = arith.mulf %convert_element_type3A_43, %add3A_276 : vector<2048x8xf32>
    %reduce_sum3A_278 = arith.constant dense<0.000000e+00> : vector<2048xf32>
    %reduce_sum3A_279 = vector.multi_reduction <add>, %mul3A_277, %reduce_sum3A_278 [1] : vector<2048x8xf32> to vector<2048xf32>
    %convert_element_type3A_280 = arith.fptosi %reduce_sum3A_274 : vector<2048xf32> to vector<2048xi32>
    %swap3A_281 = arith.constant 0 : index
    %swap3A_282 = arith.constant 0 : index
    %swap3A_283 = vector.load %arg3[%swap3A_281, %swap3A_282] : memref<2x2048xi32, #tpu.memory_space<vmem>>, vector<1x2048xi32>
    %swap3A_284 = vector.shape_cast %swap3A_283 : vector<1x2048xi32> to vector<2048xi32>
    %swap3A_285 = vector.shape_cast %convert_element_type3A_280 : vector<2048xi32> to vector<1x2048xi32>
    tpu.vector_store %arg3[%swap3A_281, %swap3A_282], %swap3A_285 {strides = array<i32>} : memref<2x2048xi32, #tpu.memory_space<vmem>>, vector<1x2048xi32>,
    %convert_element_type3A_286 = arith.fptosi %reduce_sum3A_279 : vector<2048xf32> to vector<2048xi32>
    %swap3A_287 = arith.constant 1 : index
    %swap3A_288 = arith.constant 0 : index
    %swap3A_289 = vector.load %arg3[%swap3A_287, %swap3A_288] : memref<2x2048xi32, #tpu.memory_space<vmem>>, vector<1x2048xi32>
    %swap3A_290 = vector.shape_cast %swap3A_289 : vector<1x2048xi32> to vector<2048xi32>
    %swap3A_291 = vector.shape_cast %convert_element_type3A_286 : vector<2048xi32> to vector<1x2048xi32>
    tpu.vector_store %arg3[%swap3A_287, %swap3A_288], %swap3A_291 {strides = array<i32>} : memref<2x2048xi32, #tpu.memory_space<vmem>>, vector<1x2048xi32>,
    %iota3A_292 = tpu.iota {dimensions = array<i32: 0>} : vector<64x1xi32>
    %convert_element_type3A_293 = arith.sitofp %iota3A_292 : vector<64x1xi32> to vector<64x1xf32>
    %mul3A_294 = arith.constant 2.560000e+02 : f32
    %mul3A_295 = vector.broadcast %mul3A_294 : f32 to vector<64x1xf32>
    %mul3A_296 = arith.mulf %convert_element_type3A_293, %mul3A_295 : vector<64x1xf32>
    %broadcast_in_dim3A_297 = arith.constant 6.144000e+03 : f32
    %broadcast_in_dim3A_298 = vector.broadcast %broadcast_in_dim3A_297 : f32 to vector<1x1xf32>
    %concatenate3A_299 = tpu.concatenate %dot_general3A_269, %broadcast_in_dim3A_298 in 1 : vector<1x8xf32>, vector<1x1xf32> -> vector<1x9xf32>
    %broadcast_in_dim3A_300 = arith.constant 2.048000e+03 : f32
    %broadcast_in_dim3A_301 = vector.broadcast %broadcast_in_dim3A_300 : f32 to vector<1x1xf32>
    %concatenate3A_302 = tpu.concatenate %add3A_229, %broadcast_in_dim3A_301 in 1 : vector<1x8xf32>, vector<1x1xf32> -> vector<1x9xf32>
    %ge3A_303 = vector.broadcast %mul3A_296 : vector<64x1xf32> to vector<64x9xf32>
    %ge3A_304 = vector.broadcast %concatenate3A_299 : vector<1x9xf32> to vector<64x9xf32>
    %ge3A_305 = arith.cmpf oge, %ge3A_303, %ge3A_304 : vector<64x9xf32>
    %convert_element_type3A_306 = arith.extui %ge3A_305 : vector<64x9xi1> to vector<64x9xi32>
    %convert_element_type3A_307 = arith.sitofp %convert_element_type3A_306 : vector<64x9xi32> to vector<64x9xf32>
    %reduce_sum3A_308 = arith.constant dense<0.000000e+00> : vector<64xf32>
    %reduce_sum3A_309 = vector.multi_reduction <add>, %convert_element_type3A_307, %reduce_sum3A_308 [1] : vector<64x9xf32> to vector<64xf32>
    %sub3A_310 = arith.constant 1.000000e+00 : f32
    %sub3A_311 = vector.broadcast %sub3A_310 : f32 to vector<64xf32>
    %sub3A_312 = arith.subf %reduce_sum3A_309, %sub3A_311 : vector<64xf32>
    %ge3A_313 = vector.broadcast %mul3A_296 : vector<64x1xf32> to vector<64x9xf32>
    %ge3A_314 = vector.broadcast %concatenate3A_299 : vector<1x9xf32> to vector<64x9xf32>
    %ge3A_315 = arith.cmpf oge, %ge3A_313, %ge3A_314 : vector<64x9xf32>
    %add3A_316 = arith.addf %concatenate3A_299, %concatenate3A_302 : vector<1x9xf32>
    %lt3A_317 = vector.broadcast %mul3A_296 : vector<64x1xf32> to vector<64x9xf32>
    %lt3A_318 = vector.broadcast %add3A_316 : vector<1x9xf32> to vector<64x9xf32>
    %lt3A_319 = arith.cmpf olt, %lt3A_317, %lt3A_318 : vector<64x9xf32>
    %and3A_320 = arith.andi %ge3A_315, %lt3A_319 : vector<64x9xi1>
    %convert_element_type3A_321 = arith.extui %and3A_320 : vector<64x9xi1> to vector<64x9xi32>
    %convert_element_type3A_322 = arith.sitofp %convert_element_type3A_321 : vector<64x9xi32> to vector<64x9xf32>
    %reduce_sum3A_323 = arith.constant dense<0.000000e+00> : vector<64xf32>
    %reduce_sum3A_324 = vector.multi_reduction <add>, %convert_element_type3A_322, %reduce_sum3A_323 [1] : vector<64x9xf32> to vector<64xf32>
    %convert_element_type3A_325 = arith.fptosi %sub3A_312 : vector<64xf32> to vector<64xi32>
    %swap3A_326 = arith.constant 0 : index
    %swap3A_327 = arith.constant 0 : index
    %swap3A_328 = vector.load %arg6[%swap3A_326, %swap3A_327] : memref<1x64xi32, #tpu.memory_space<vmem>>, vector<1x64xi32>
    %swap3A_329 = vector.shape_cast %swap3A_328 : vector<1x64xi32> to vector<64xi32>
    %swap3A_330 = vector.shape_cast %convert_element_type3A_325 : vector<64xi32> to vector<1x64xi32>
    tpu.vector_store %arg6[%swap3A_326, %swap3A_327], %swap3A_330 {strides = array<i32>} : memref<1x64xi32, #tpu.memory_space<vmem>>, vector<1x64xi32>,
    %convert_element_type3A_331 = arith.fptosi %reduce_sum3A_324 : vector<64xf32> to vector<64xi32>
    %swap3A_332 = arith.constant 0 : index
    %swap3A_333 = arith.constant 0 : index
    %swap3A_334 = vector.load %arg7[%swap3A_332, %swap3A_333] : memref<1x64xi32, #tpu.memory_space<vmem>>, vector<1x64xi32>
    %swap3A_335 = vector.shape_cast %swap3A_334 : vector<1x64xi32> to vector<64xi32>
    %swap3A_336 = vector.shape_cast %convert_element_type3A_331 : vector<64xi32> to vector<1x64xi32>
    tpu.vector_store %arg7[%swap3A_332, %swap3A_333], %swap3A_336 {strides = array<i32>} : memref<1x64xi32, #tpu.memory_space<vmem>>, vector<1x64xi32>,
    %iota3A_337 = tpu.iota {dimensions = array<i32: 1>} : vector<64x8xi32>
    %convert_element_type3A_338 = arith.fptosi %sub3A_312 : vector<64xf32> to vector<64xi32>
    %gt3A_339 = arith.constant 0.000000e+00 : f32
    %gt3A_340 = vector.broadcast %gt3A_339 : f32 to vector<1x8xf32>
    %gt3A_341 = arith.cmpf ogt, %add3A_229, %gt3A_340 : vector<1x8xf32>
    %broadcast_in_dim3A_342 = vector.shape_cast %convert_element_type3A_338 : vector<64xi32> to vector<64x1xi32>
    %gt3A_343 = vector.broadcast %broadcast_in_dim3A_342 : vector<64x1xi32> to vector<64x8xi32>
    %gt3A_344 = arith.cmpi sgt, %iota3A_337, %gt3A_343 : vector<64x8xi32>
    %and3A_345 = vector.broadcast %gt3A_341 : vector<1x8xi1> to vector<64x8xi1>
    %and3A_346 = arith.andi %and3A_345, %gt3A_344 : vector<64x8xi1>
    %jit3A_347 = arith.constant 99 : i32
    %broadcast_in_dim3A_348 = vector.broadcast %jit3A_347 : i32 to vector<64x8xi32>
    %select_n3A_349 = arith.select %and3A_346, %iota3A_337, %broadcast_in_dim3A_348 : vector<64x8xi1>, vector<64x8xi32>
    %reduce_min3A_350 = arith.constant dense<2147483647> : vector<64xi32>
    %reduce_min3A_351 = vector.multi_reduction <minsi>, %select_n3A_349, %reduce_min3A_350 [1] : vector<64x8xi32> to vector<64xi32>
    %gt3A_352 = arith.constant 98 : i32
    %gt3A_353 = vector.broadcast %gt3A_352 : i32 to vector<64xi32>
    %gt3A_354 = arith.cmpi sgt, %reduce_min3A_351, %gt3A_353 : vector<64xi32>
    %select_n3A_355 = arith.select %gt3A_354, %convert_element_type3A_338, %reduce_min3A_351 : vector<64xi1>, vector<64xi32>
    %swap3A_356 = arith.constant 0 : index
    %swap3A_357 = arith.constant 0 : index
    %swap3A_358 = vector.load %arg8[%swap3A_356, %swap3A_357] : memref<1x64xi32, #tpu.memory_space<vmem>>, vector<1x64xi32>
    %swap3A_359 = vector.shape_cast %swap3A_358 : vector<1x64xi32> to vector<64xi32>
    %swap3A_360 = vector.shape_cast %select_n3A_355 : vector<64xi32> to vector<1x64xi32>
    tpu.vector_store %arg8[%swap3A_356, %swap3A_357], %swap3A_360 {strides = array<i32>} : memref<1x64xi32, #tpu.memory_space<vmem>>, vector<1x64xi32>,
    return
  }
}

module attributes {stable_mosaic.version = 14 : i64} {
  func.func @_ffn_body(%arg0: i32, %arg1: memref<24xi32, #tpu.memory_space<smem>>, %arg2: memref<24xi32, #tpu.memory_space<smem>>, %arg3: memref<24xi32, #tpu.memory_space<smem>>, %arg4: memref<256x1024xf32, #tpu.memory_space<vmem>>, %arg5: memref<8x704x1024xf32, #tpu.memory_space<hbm>>, %arg6: memref<8x704x1024xf32, #tpu.memory_space<hbm>>, %arg7: memref<8x704x1024xf32, #tpu.memory_space<hbm>>, %arg8: memref<256x1024xf32, #tpu.memory_space<vmem>>, %arg9: memref<3x704x1024xf32, #tpu.memory_space<vmem>>, %arg10: memref<3x704x1024xf32, #tpu.memory_space<vmem>>, %arg11: memref<3x704x1024xbf16, #tpu.memory_space<vmem>>, %arg12: memref<3x!tpu.dma_semaphore, #tpu.memory_space<semaphore_mem>>, %arg13: memref<3x!tpu.dma_semaphore, #tpu.memory_space<semaphore_mem>>) attributes {dimension_semantics = [#tpu.dimension_semantics<arbitrary>], iteration_bounds = array<i64: 24>, scalar_prefetch = 3 : i64, scratch_operands = 5 : i64, tpu.core_type = #tpu.core_type<tc>, window_params = [{transform_indices = @transform_0, window_bounds = array<i64: 256, 1024>}, {}, {}, {}, {transform_indices = @transform_4, window_bounds = array<i64: 256, 1024>}]} {
    %get3A = arith.index_cast %arg0 : i32 to index
    %get3A_0 = memref.load %arg1[%get3A] : memref<24xi32, #tpu.memory_space<smem>>
    %sub3A = arith.constant 1 : i32
    %sub3A_1 = arith.subi %arg0, %sub3A : i32
    %max3A = arith.constant 0 : i32
    %max3A_2 = arith.maxsi %sub3A_1, %max3A : i32
    %eq3A = arith.constant 0 : i32
    %eq3A_3 = arith.cmpi eq, %arg0, %eq3A : i32
    %get3A_4 = arith.index_cast %max3A_2 : i32 to index
    %get3A_5 = memref.load %arg1[%get3A_4] : memref<24xi32, #tpu.memory_space<smem>>
    %ne3A = arith.cmpi ne, %get3A_0, %get3A_5 : i32
    %or3A = arith.ori %eq3A_3, %ne3A : i1
    %get3A_6 = arith.index_cast %arg0 : i32 to index
    %get3A_7 = memref.load %arg3[%get3A_6] : memref<24xi32, #tpu.memory_space<smem>>
    %jit3A = arith.constant 2 : i32
    %eq3A_8 = arith.constant 0 : i32
    %eq3A_9 = arith.cmpi eq, %jit3A, %eq3A_8 : i32
    %jit3A_10 = arith.constant 1 : i32
    %select_n3A = arith.select %eq3A_9, %jit3A_10, %jit3A : i32
    %rem3A = arith.remsi %get3A_0, %select_n3A : i32
    %ne3A_11 = arith.constant 0 : i32
    %ne3A_12 = arith.cmpi ne, %rem3A, %ne3A_11 : i32
    %lt3A = arith.constant 0 : i32
    %lt3A_13 = arith.cmpi slt, %rem3A, %lt3A : i32
    %lt3A_14 = arith.constant 0 : i32
    %lt3A_15 = arith.cmpi slt, %select_n3A, %lt3A_14 : i32
    %ne3A_16 = arith.xori %lt3A_13, %lt3A_15 : i1
    %and3A = arith.andi %ne3A_16, %ne3A_12 : i1
    %add3A = arith.addi %rem3A, %select_n3A : i32
    %select_n3A_17 = arith.select %and3A, %add3A, %rem3A : i32
    %jit3A_18 = arith.constant 2 : i32
    %eq3A_19 = arith.constant 0 : i32
    %eq3A_20 = arith.cmpi eq, %jit3A_18, %eq3A_19 : i32
    %jit3A_21 = arith.constant 1 : i32
    %select_n3A_22 = arith.select %eq3A_20, %jit3A_21, %jit3A_18 : i32
    %rem3A_23 = arith.remsi %get3A_7, %select_n3A_22 : i32
    %ne3A_24 = arith.constant 0 : i32
    %ne3A_25 = arith.cmpi ne, %rem3A_23, %ne3A_24 : i32
    %lt3A_26 = arith.constant 0 : i32
    %lt3A_27 = arith.cmpi slt, %rem3A_23, %lt3A_26 : i32
    %lt3A_28 = arith.constant 0 : i32
    %lt3A_29 = arith.cmpi slt, %select_n3A_22, %lt3A_28 : i32
    %ne3A_30 = arith.xori %lt3A_27, %lt3A_29 : i1
    %and3A_31 = arith.andi %ne3A_30, %ne3A_25 : i1
    %add3A_32 = arith.addi %rem3A_23, %select_n3A_22 : i32
    %select_n3A_33 = arith.select %and3A_31, %add3A_32, %rem3A_23 : i32
    %eq3A_34 = arith.constant 0 : i32
    %eq3A_35 = arith.cmpi eq, %arg0, %eq3A_34 : i32
    %eq3A_36 = arith.constant 0 : i32
    %eq3A_37 = arith.cmpi eq, %select_n3A_17, %eq3A_36 : i32
    %and3A_38 = arith.andi %eq3A_35, %eq3A_37 : i1
    %convert_element_type3A = arith.extui %and3A_38 : i1 to i32
    %cond3A = arith.constant 0 : i32
    %cond3A_39 = arith.cmpi ne, %convert_element_type3A, %cond3A : i32
    scf.if %cond3A_39 {
      %dma_start3A = arith.constant 0 : i32
      %dma_start3A_74 = arith.constant 0 : i32
      %dma_start3A_75 = tpu.memref_slice %arg12[%dma_start3A_74] : memref<3x!tpu.dma_semaphore, #tpu.memory_space<semaphore_mem>> -> memref<1x!tpu.dma_semaphore, #tpu.memory_space<semaphore_mem>>
      %dma_start3A_76 = tpu.memref_squeeze %dma_start3A_75 : memref<1x!tpu.dma_semaphore, #tpu.memory_space<semaphore_mem>> -> memref<!tpu.dma_semaphore, #tpu.memory_space<semaphore_mem>>
      %dma_start3A_77 = arith.constant 0 : i32
      %dma_start3A_78 = arith.constant 0 : i32
      %dma_start3A_79 = tpu.memref_slice %arg9[%dma_start3A, %dma_start3A_77, %dma_start3A_78] : memref<3x704x1024xf32, #tpu.memory_space<vmem>> -> memref<1x704x1024xf32, #tpu.memory_space<vmem>>
      %dma_start3A_80 = tpu.memref_squeeze %dma_start3A_79 : memref<1x704x1024xf32, #tpu.memory_space<vmem>> -> memref<704x1024xf32, #tpu.memory_space<vmem>>
      %dma_start3A_81 = arith.constant 0 : i32
      %dma_start3A_82 = arith.constant 0 : i32
      %dma_start3A_83 = tpu.memref_slice %arg5[%get3A_0, %dma_start3A_81, %dma_start3A_82] : memref<8x704x1024xf32, #tpu.memory_space<hbm>> -> memref<1x704x1024xf32, #tpu.memory_space<hbm>>
      %dma_start3A_84 = tpu.memref_squeeze %dma_start3A_83 : memref<1x704x1024xf32, #tpu.memory_space<hbm>> -> memref<704x1024xf32, #tpu.memory_space<hbm>>
      tpu.enqueue_dma source(%dma_start3A_84 : memref<704x1024xf32, #tpu.memory_space<hbm>>) target(%dma_start3A_80 : memref<704x1024xf32, #tpu.memory_space<vmem>>) target_semaphore(%dma_start3A_76 : memref<!tpu.dma_semaphore, #tpu.memory_space<semaphore_mem>>)
      %dma_start3A_85 = arith.constant 1 : i32
      %dma_start3A_86 = arith.constant 1 : i32
      %dma_start3A_87 = tpu.memref_slice %arg12[%dma_start3A_86] : memref<3x!tpu.dma_semaphore, #tpu.memory_space<semaphore_mem>> -> memref<1x!tpu.dma_semaphore, #tpu.memory_space<semaphore_mem>>
      %dma_start3A_88 = tpu.memref_squeeze %dma_start3A_87 : memref<1x!tpu.dma_semaphore, #tpu.memory_space<semaphore_mem>> -> memref<!tpu.dma_semaphore, #tpu.memory_space<semaphore_mem>>
      %dma_start3A_89 = arith.constant 0 : i32
      %dma_start3A_90 = arith.constant 0 : i32
      %dma_start3A_91 = tpu.memref_slice %arg9[%dma_start3A_85, %dma_start3A_89, %dma_start3A_90] : memref<3x704x1024xf32, #tpu.memory_space<vmem>> -> memref<1x704x1024xf32, #tpu.memory_space<vmem>>
      %dma_start3A_92 = tpu.memref_squeeze %dma_start3A_91 : memref<1x704x1024xf32, #tpu.memory_space<vmem>> -> memref<704x1024xf32, #tpu.memory_space<vmem>>
      %dma_start3A_93 = arith.constant 0 : i32
      %dma_start3A_94 = arith.constant 0 : i32
      %dma_start3A_95 = tpu.memref_slice %arg6[%get3A_0, %dma_start3A_93, %dma_start3A_94] : memref<8x704x1024xf32, #tpu.memory_space<hbm>> -> memref<1x704x1024xf32, #tpu.memory_space<hbm>>
      %dma_start3A_96 = tpu.memref_squeeze %dma_start3A_95 : memref<1x704x1024xf32, #tpu.memory_space<hbm>> -> memref<704x1024xf32, #tpu.memory_space<hbm>>
      tpu.enqueue_dma source(%dma_start3A_96 : memref<704x1024xf32, #tpu.memory_space<hbm>>) target(%dma_start3A_92 : memref<704x1024xf32, #tpu.memory_space<vmem>>) target_semaphore(%dma_start3A_88 : memref<!tpu.dma_semaphore, #tpu.memory_space<semaphore_mem>>)
      %dma_start3A_97 = arith.constant 2 : i32
      %dma_start3A_98 = arith.constant 2 : i32
      %dma_start3A_99 = tpu.memref_slice %arg12[%dma_start3A_98] : memref<3x!tpu.dma_semaphore, #tpu.memory_space<semaphore_mem>> -> memref<1x!tpu.dma_semaphore, #tpu.memory_space<semaphore_mem>>
      %dma_start3A_100 = tpu.memref_squeeze %dma_start3A_99 : memref<1x!tpu.dma_semaphore, #tpu.memory_space<semaphore_mem>> -> memref<!tpu.dma_semaphore, #tpu.memory_space<semaphore_mem>>
      %dma_start3A_101 = arith.constant 0 : i32
      %dma_start3A_102 = arith.constant 0 : i32
      %dma_start3A_103 = tpu.memref_slice %arg9[%dma_start3A_97, %dma_start3A_101, %dma_start3A_102] : memref<3x704x1024xf32, #tpu.memory_space<vmem>> -> memref<1x704x1024xf32, #tpu.memory_space<vmem>>
      %dma_start3A_104 = tpu.memref_squeeze %dma_start3A_103 : memref<1x704x1024xf32, #tpu.memory_space<vmem>> -> memref<704x1024xf32, #tpu.memory_space<vmem>>
      %dma_start3A_105 = arith.constant 0 : i32
      %dma_start3A_106 = arith.constant 0 : i32
      %dma_start3A_107 = tpu.memref_slice %arg7[%get3A_0, %dma_start3A_105, %dma_start3A_106] : memref<8x704x1024xf32, #tpu.memory_space<hbm>> -> memref<1x704x1024xf32, #tpu.memory_space<hbm>>
      %dma_start3A_108 = tpu.memref_squeeze %dma_start3A_107 : memref<1x704x1024xf32, #tpu.memory_space<hbm>> -> memref<704x1024xf32, #tpu.memory_space<hbm>>
      tpu.enqueue_dma source(%dma_start3A_108 : memref<704x1024xf32, #tpu.memory_space<hbm>>) target(%dma_start3A_104 : memref<704x1024xf32, #tpu.memory_space<vmem>>) target_semaphore(%dma_start3A_100 : memref<!tpu.dma_semaphore, #tpu.memory_space<semaphore_mem>>)
    } else {
    }
    %eq3A_40 = arith.constant 0 : i32
    %eq3A_41 = arith.cmpi eq, %arg0, %eq3A_40 : i32
    %eq3A_42 = arith.constant 1 : i32
    %eq3A_43 = arith.cmpi eq, %select_n3A_17, %eq3A_42 : i32
    %and3A_44 = arith.andi %eq3A_41, %eq3A_43 : i1
    %convert_element_type3A_45 = arith.extui %and3A_44 : i1 to i32
    %cond3A_46 = arith.constant 0 : i32
    %cond3A_47 = arith.cmpi ne, %convert_element_type3A_45, %cond3A_46 : i32
    scf.if %cond3A_47 {
      %dma_start3A = arith.constant 0 : i32
      %dma_start3A_74 = arith.constant 0 : i32
      %dma_start3A_75 = tpu.memref_slice %arg13[%dma_start3A_74] : memref<3x!tpu.dma_semaphore, #tpu.memory_space<semaphore_mem>> -> memref<1x!tpu.dma_semaphore, #tpu.memory_space<semaphore_mem>>
      %dma_start3A_76 = tpu.memref_squeeze %dma_start3A_75 : memref<1x!tpu.dma_semaphore, #tpu.memory_space<semaphore_mem>> -> memref<!tpu.dma_semaphore, #tpu.memory_space<semaphore_mem>>
      %dma_start3A_77 = arith.constant 0 : i32
      %dma_start3A_78 = arith.constant 0 : i32
      %dma_start3A_79 = tpu.memref_slice %arg10[%dma_start3A, %dma_start3A_77, %dma_start3A_78] : memref<3x704x1024xf32, #tpu.memory_space<vmem>> -> memref<1x704x1024xf32, #tpu.memory_space<vmem>>
      %dma_start3A_80 = tpu.memref_squeeze %dma_start3A_79 : memref<1x704x1024xf32, #tpu.memory_space<vmem>> -> memref<704x1024xf32, #tpu.memory_space<vmem>>
      %dma_start3A_81 = arith.constant 0 : i32
      %dma_start3A_82 = arith.constant 0 : i32
      %dma_start3A_83 = tpu.memref_slice %arg5[%get3A_0, %dma_start3A_81, %dma_start3A_82] : memref<8x704x1024xf32, #tpu.memory_space<hbm>> -> memref<1x704x1024xf32, #tpu.memory_space<hbm>>
      %dma_start3A_84 = tpu.memref_squeeze %dma_start3A_83 : memref<1x704x1024xf32, #tpu.memory_space<hbm>> -> memref<704x1024xf32, #tpu.memory_space<hbm>>
      tpu.enqueue_dma source(%dma_start3A_84 : memref<704x1024xf32, #tpu.memory_space<hbm>>) target(%dma_start3A_80 : memref<704x1024xf32, #tpu.memory_space<vmem>>) target_semaphore(%dma_start3A_76 : memref<!tpu.dma_semaphore, #tpu.memory_space<semaphore_mem>>)
      %dma_start3A_85 = arith.constant 1 : i32
      %dma_start3A_86 = arith.constant 1 : i32
      %dma_start3A_87 = tpu.memref_slice %arg13[%dma_start3A_86] : memref<3x!tpu.dma_semaphore, #tpu.memory_space<semaphore_mem>> -> memref<1x!tpu.dma_semaphore, #tpu.memory_space<semaphore_mem>>
      %dma_start3A_88 = tpu.memref_squeeze %dma_start3A_87 : memref<1x!tpu.dma_semaphore, #tpu.memory_space<semaphore_mem>> -> memref<!tpu.dma_semaphore, #tpu.memory_space<semaphore_mem>>
      %dma_start3A_89 = arith.constant 0 : i32
      %dma_start3A_90 = arith.constant 0 : i32
      %dma_start3A_91 = tpu.memref_slice %arg10[%dma_start3A_85, %dma_start3A_89, %dma_start3A_90] : memref<3x704x1024xf32, #tpu.memory_space<vmem>> -> memref<1x704x1024xf32, #tpu.memory_space<vmem>>
      %dma_start3A_92 = tpu.memref_squeeze %dma_start3A_91 : memref<1x704x1024xf32, #tpu.memory_space<vmem>> -> memref<704x1024xf32, #tpu.memory_space<vmem>>
      %dma_start3A_93 = arith.constant 0 : i32
      %dma_start3A_94 = arith.constant 0 : i32
      %dma_start3A_95 = tpu.memref_slice %arg6[%get3A_0, %dma_start3A_93, %dma_start3A_94] : memref<8x704x1024xf32, #tpu.memory_space<hbm>> -> memref<1x704x1024xf32, #tpu.memory_space<hbm>>
      %dma_start3A_96 = tpu.memref_squeeze %dma_start3A_95 : memref<1x704x1024xf32, #tpu.memory_space<hbm>> -> memref<704x1024xf32, #tpu.memory_space<hbm>>
      tpu.enqueue_dma source(%dma_start3A_96 : memref<704x1024xf32, #tpu.memory_space<hbm>>) target(%dma_start3A_92 : memref<704x1024xf32, #tpu.memory_space<vmem>>) target_semaphore(%dma_start3A_88 : memref<!tpu.dma_semaphore, #tpu.memory_space<semaphore_mem>>)
      %dma_start3A_97 = arith.constant 2 : i32
      %dma_start3A_98 = arith.constant 2 : i32
      %dma_start3A_99 = tpu.memref_slice %arg13[%dma_start3A_98] : memref<3x!tpu.dma_semaphore, #tpu.memory_space<semaphore_mem>> -> memref<1x!tpu.dma_semaphore, #tpu.memory_space<semaphore_mem>>
      %dma_start3A_100 = tpu.memref_squeeze %dma_start3A_99 : memref<1x!tpu.dma_semaphore, #tpu.memory_space<semaphore_mem>> -> memref<!tpu.dma_semaphore, #tpu.memory_space<semaphore_mem>>
      %dma_start3A_101 = arith.constant 0 : i32
      %dma_start3A_102 = arith.constant 0 : i32
      %dma_start3A_103 = tpu.memref_slice %arg10[%dma_start3A_97, %dma_start3A_101, %dma_start3A_102] : memref<3x704x1024xf32, #tpu.memory_space<vmem>> -> memref<1x704x1024xf32, #tpu.memory_space<vmem>>
      %dma_start3A_104 = tpu.memref_squeeze %dma_start3A_103 : memref<1x704x1024xf32, #tpu.memory_space<vmem>> -> memref<704x1024xf32, #tpu.memory_space<vmem>>
      %dma_start3A_105 = arith.constant 0 : i32
      %dma_start3A_106 = arith.constant 0 : i32
      %dma_start3A_107 = tpu.memref_slice %arg7[%get3A_0, %dma_start3A_105, %dma_start3A_106] : memref<8x704x1024xf32, #tpu.memory_space<hbm>> -> memref<1x704x1024xf32, #tpu.memory_space<hbm>>
      %dma_start3A_108 = tpu.memref_squeeze %dma_start3A_107 : memref<1x704x1024xf32, #tpu.memory_space<hbm>> -> memref<704x1024xf32, #tpu.memory_space<hbm>>
      tpu.enqueue_dma source(%dma_start3A_108 : memref<704x1024xf32, #tpu.memory_space<hbm>>) target(%dma_start3A_104 : memref<704x1024xf32, #tpu.memory_space<vmem>>) target_semaphore(%dma_start3A_100 : memref<!tpu.dma_semaphore, #tpu.memory_space<semaphore_mem>>)
    } else {
    }
    %convert_element_type3A_48 = arith.extui %or3A : i1 to i32
    %cond3A_49 = arith.constant 0 : i32
    %cond3A_50 = arith.cmpi ne, %convert_element_type3A_48, %cond3A_49 : i32
    scf.if %cond3A_50 {
      %eq3A_74 = arith.constant 0 : i32
      %eq3A_75 = arith.cmpi eq, %select_n3A_17, %eq3A_74 : i32
      %convert_element_type3A_76 = arith.extui %eq3A_75 : i1 to i32
      %cond3A_77 = arith.constant 0 : i32
      %cond3A_78 = arith.cmpi ne, %convert_element_type3A_76, %cond3A_77 : i32
      scf.if %cond3A_78 {
        %dma_wait3A = arith.constant 0 : i32
        %dma_wait3A_94 = arith.constant 0 : i32
        %dma_wait3A_95 = tpu.memref_slice %arg12[%dma_wait3A_94] : memref<3x!tpu.dma_semaphore, #tpu.memory_space<semaphore_mem>> -> memref<1x!tpu.dma_semaphore, #tpu.memory_space<semaphore_mem>>
        %dma_wait3A_96 = tpu.memref_squeeze %dma_wait3A_95 : memref<1x!tpu.dma_semaphore, #tpu.memory_space<semaphore_mem>> -> memref<!tpu.dma_semaphore, #tpu.memory_space<semaphore_mem>>
        %dma_wait3A_97 = arith.constant 0 : i32
        %dma_wait3A_98 = arith.constant 0 : i32
        %dma_wait3A_99 = tpu.memref_slice %arg9[%dma_wait3A, %dma_wait3A_97, %dma_wait3A_98] : memref<3x704x1024xf32, #tpu.memory_space<vmem>> -> memref<1x704x1024xf32, #tpu.memory_space<vmem>>
        %dma_wait3A_100 = tpu.memref_squeeze %dma_wait3A_99 : memref<1x704x1024xf32, #tpu.memory_space<vmem>> -> memref<704x1024xf32, #tpu.memory_space<vmem>>
        %dma_wait3A_101 = arith.constant 0 : i32
        %dma_wait3A_102 = arith.constant 0 : i32
        %dma_wait3A_103 = tpu.memref_slice %arg5[%get3A_0, %dma_wait3A_101, %dma_wait3A_102] : memref<8x704x1024xf32, #tpu.memory_space<hbm>> -> memref<1x704x1024xf32, #tpu.memory_space<hbm>>
        %dma_wait3A_104 = tpu.memref_squeeze %dma_wait3A_103 : memref<1x704x1024xf32, #tpu.memory_space<hbm>> -> memref<704x1024xf32, #tpu.memory_space<hbm>>
        tpu.wait_dma2 semaphore(%dma_wait3A_96 : memref<!tpu.dma_semaphore, #tpu.memory_space<semaphore_mem>>) src(%dma_wait3A_104 : memref<704x1024xf32, #tpu.memory_space<hbm>>) dst(%dma_wait3A_100 : memref<704x1024xf32, #tpu.memory_space<vmem>>)
        %dma_wait3A_105 = arith.constant 1 : i32
        %dma_wait3A_106 = arith.constant 1 : i32
        %dma_wait3A_107 = tpu.memref_slice %arg12[%dma_wait3A_106] : memref<3x!tpu.dma_semaphore, #tpu.memory_space<semaphore_mem>> -> memref<1x!tpu.dma_semaphore, #tpu.memory_space<semaphore_mem>>
        %dma_wait3A_108 = tpu.memref_squeeze %dma_wait3A_107 : memref<1x!tpu.dma_semaphore, #tpu.memory_space<semaphore_mem>> -> memref<!tpu.dma_semaphore, #tpu.memory_space<semaphore_mem>>
        %dma_wait3A_109 = arith.constant 0 : i32
        %dma_wait3A_110 = arith.constant 0 : i32
        %dma_wait3A_111 = tpu.memref_slice %arg9[%dma_wait3A_105, %dma_wait3A_109, %dma_wait3A_110] : memref<3x704x1024xf32, #tpu.memory_space<vmem>> -> memref<1x704x1024xf32, #tpu.memory_space<vmem>>
        %dma_wait3A_112 = tpu.memref_squeeze %dma_wait3A_111 : memref<1x704x1024xf32, #tpu.memory_space<vmem>> -> memref<704x1024xf32, #tpu.memory_space<vmem>>
        %dma_wait3A_113 = arith.constant 0 : i32
        %dma_wait3A_114 = arith.constant 0 : i32
        %dma_wait3A_115 = tpu.memref_slice %arg6[%get3A_0, %dma_wait3A_113, %dma_wait3A_114] : memref<8x704x1024xf32, #tpu.memory_space<hbm>> -> memref<1x704x1024xf32, #tpu.memory_space<hbm>>
        %dma_wait3A_116 = tpu.memref_squeeze %dma_wait3A_115 : memref<1x704x1024xf32, #tpu.memory_space<hbm>> -> memref<704x1024xf32, #tpu.memory_space<hbm>>
        tpu.wait_dma2 semaphore(%dma_wait3A_108 : memref<!tpu.dma_semaphore, #tpu.memory_space<semaphore_mem>>) src(%dma_wait3A_116 : memref<704x1024xf32, #tpu.memory_space<hbm>>) dst(%dma_wait3A_112 : memref<704x1024xf32, #tpu.memory_space<vmem>>)
        %dma_wait3A_117 = arith.constant 2 : i32
        %dma_wait3A_118 = arith.constant 2 : i32
        %dma_wait3A_119 = tpu.memref_slice %arg12[%dma_wait3A_118] : memref<3x!tpu.dma_semaphore, #tpu.memory_space<semaphore_mem>> -> memref<1x!tpu.dma_semaphore, #tpu.memory_space<semaphore_mem>>
        %dma_wait3A_120 = tpu.memref_squeeze %dma_wait3A_119 : memref<1x!tpu.dma_semaphore, #tpu.memory_space<semaphore_mem>> -> memref<!tpu.dma_semaphore, #tpu.memory_space<semaphore_mem>>
        %dma_wait3A_121 = arith.constant 0 : i32
        %dma_wait3A_122 = arith.constant 0 : i32
        %dma_wait3A_123 = tpu.memref_slice %arg9[%dma_wait3A_117, %dma_wait3A_121, %dma_wait3A_122] : memref<3x704x1024xf32, #tpu.memory_space<vmem>> -> memref<1x704x1024xf32, #tpu.memory_space<vmem>>
        %dma_wait3A_124 = tpu.memref_squeeze %dma_wait3A_123 : memref<1x704x1024xf32, #tpu.memory_space<vmem>> -> memref<704x1024xf32, #tpu.memory_space<vmem>>
        %dma_wait3A_125 = arith.constant 0 : i32
        %dma_wait3A_126 = arith.constant 0 : i32
        %dma_wait3A_127 = tpu.memref_slice %arg7[%get3A_0, %dma_wait3A_125, %dma_wait3A_126] : memref<8x704x1024xf32, #tpu.memory_space<hbm>> -> memref<1x704x1024xf32, #tpu.memory_space<hbm>>
        %dma_wait3A_128 = tpu.memref_squeeze %dma_wait3A_127 : memref<1x704x1024xf32, #tpu.memory_space<hbm>> -> memref<704x1024xf32, #tpu.memory_space<hbm>>
        tpu.wait_dma2 semaphore(%dma_wait3A_120 : memref<!tpu.dma_semaphore, #tpu.memory_space<semaphore_mem>>) src(%dma_wait3A_128 : memref<704x1024xf32, #tpu.memory_space<hbm>>) dst(%dma_wait3A_124 : memref<704x1024xf32, #tpu.memory_space<vmem>>)
        %get3A_129 = arith.constant 0 : index
        %get3A_130 = arith.constant 0 : index
        %get3A_131 = arith.constant 0 : index
        %get3A_132 = vector.load %arg9[%get3A_129, %get3A_130, %get3A_131] : memref<3x704x1024xf32, #tpu.memory_space<vmem>>, vector<1x704x1024xf32>
        %get3A_133 = vector.shape_cast %get3A_132 : vector<1x704x1024xf32> to vector<704x1024xf32>
        %convert_element_type3A_134 = arith.truncf %get3A_133 : vector<704x1024xf32> to vector<704x1024xbf16>
        %swap3A = arith.constant 0 : index
        %swap3A_135 = arith.constant 0 : index
        %swap3A_136 = arith.constant 0 : index
        %swap3A_137 = vector.load %arg11[%swap3A, %swap3A_135, %swap3A_136] : memref<3x704x1024xbf16, #tpu.memory_space<vmem>>, vector<1x704x1024xbf16>
        %swap3A_138 = vector.shape_cast %swap3A_137 : vector<1x704x1024xbf16> to vector<704x1024xbf16>
        %swap3A_139 = vector.shape_cast %convert_element_type3A_134 : vector<704x1024xbf16> to vector<1x704x1024xbf16>
        tpu.vector_store %arg11[%swap3A, %swap3A_135, %swap3A_136], %swap3A_139 {strides = array<i32>} : memref<3x704x1024xbf16, #tpu.memory_space<vmem>>, vector<1x704x1024xbf16>,
        %get3A_140 = arith.constant 1 : index
        %get3A_141 = arith.constant 0 : index
        %get3A_142 = arith.constant 0 : index
        %get3A_143 = vector.load %arg9[%get3A_140, %get3A_141, %get3A_142] : memref<3x704x1024xf32, #tpu.memory_space<vmem>>, vector<1x704x1024xf32>
        %get3A_144 = vector.shape_cast %get3A_143 : vector<1x704x1024xf32> to vector<704x1024xf32>
        %convert_element_type3A_145 = arith.truncf %get3A_144 : vector<704x1024xf32> to vector<704x1024xbf16>
        %swap3A_146 = arith.constant 1 : index
        %swap3A_147 = arith.constant 0 : index
        %swap3A_148 = arith.constant 0 : index
        %swap3A_149 = vector.load %arg11[%swap3A_146, %swap3A_147, %swap3A_148] : memref<3x704x1024xbf16, #tpu.memory_space<vmem>>, vector<1x704x1024xbf16>
        %swap3A_150 = vector.shape_cast %swap3A_149 : vector<1x704x1024xbf16> to vector<704x1024xbf16>
        %swap3A_151 = vector.shape_cast %convert_element_type3A_145 : vector<704x1024xbf16> to vector<1x704x1024xbf16>
        tpu.vector_store %arg11[%swap3A_146, %swap3A_147, %swap3A_148], %swap3A_151 {strides = array<i32>} : memref<3x704x1024xbf16, #tpu.memory_space<vmem>>, vector<1x704x1024xbf16>,
        %get3A_152 = arith.constant 2 : index
        %get3A_153 = arith.constant 0 : index
        %get3A_154 = arith.constant 0 : index
        %get3A_155 = vector.load %arg9[%get3A_152, %get3A_153, %get3A_154] : memref<3x704x1024xf32, #tpu.memory_space<vmem>>, vector<1x704x1024xf32>
        %get3A_156 = vector.shape_cast %get3A_155 : vector<1x704x1024xf32> to vector<704x1024xf32>
        %convert_element_type3A_157 = arith.truncf %get3A_156 : vector<704x1024xf32> to vector<704x1024xbf16>
        %swap3A_158 = arith.constant 2 : index
        %swap3A_159 = arith.constant 0 : index
        %swap3A_160 = arith.constant 0 : index
        %swap3A_161 = vector.load %arg11[%swap3A_158, %swap3A_159, %swap3A_160] : memref<3x704x1024xbf16, #tpu.memory_space<vmem>>, vector<1x704x1024xbf16>
        %swap3A_162 = vector.shape_cast %swap3A_161 : vector<1x704x1024xbf16> to vector<704x1024xbf16>
        %swap3A_163 = vector.shape_cast %convert_element_type3A_157 : vector<704x1024xbf16> to vector<1x704x1024xbf16>
        tpu.vector_store %arg11[%swap3A_158, %swap3A_159, %swap3A_160], %swap3A_163 {strides = array<i32>} : memref<3x704x1024xbf16, #tpu.memory_space<vmem>>, vector<1x704x1024xbf16>,
      } else {
      }
      %eq3A_79 = arith.constant 1 : i32
      %eq3A_80 = arith.cmpi eq, %select_n3A_17, %eq3A_79 : i32
      %convert_element_type3A_81 = arith.extui %eq3A_80 : i1 to i32
      %cond3A_82 = arith.constant 0 : i32
      %cond3A_83 = arith.cmpi ne, %convert_element_type3A_81, %cond3A_82 : i32
      scf.if %cond3A_83 {
        %dma_wait3A = arith.constant 0 : i32
        %dma_wait3A_94 = arith.constant 0 : i32
        %dma_wait3A_95 = tpu.memref_slice %arg13[%dma_wait3A_94] : memref<3x!tpu.dma_semaphore, #tpu.memory_space<semaphore_mem>> -> memref<1x!tpu.dma_semaphore, #tpu.memory_space<semaphore_mem>>
        %dma_wait3A_96 = tpu.memref_squeeze %dma_wait3A_95 : memref<1x!tpu.dma_semaphore, #tpu.memory_space<semaphore_mem>> -> memref<!tpu.dma_semaphore, #tpu.memory_space<semaphore_mem>>
        %dma_wait3A_97 = arith.constant 0 : i32
        %dma_wait3A_98 = arith.constant 0 : i32
        %dma_wait3A_99 = tpu.memref_slice %arg10[%dma_wait3A, %dma_wait3A_97, %dma_wait3A_98] : memref<3x704x1024xf32, #tpu.memory_space<vmem>> -> memref<1x704x1024xf32, #tpu.memory_space<vmem>>
        %dma_wait3A_100 = tpu.memref_squeeze %dma_wait3A_99 : memref<1x704x1024xf32, #tpu.memory_space<vmem>> -> memref<704x1024xf32, #tpu.memory_space<vmem>>
        %dma_wait3A_101 = arith.constant 0 : i32
        %dma_wait3A_102 = arith.constant 0 : i32
        %dma_wait3A_103 = tpu.memref_slice %arg5[%get3A_0, %dma_wait3A_101, %dma_wait3A_102] : memref<8x704x1024xf32, #tpu.memory_space<hbm>> -> memref<1x704x1024xf32, #tpu.memory_space<hbm>>
        %dma_wait3A_104 = tpu.memref_squeeze %dma_wait3A_103 : memref<1x704x1024xf32, #tpu.memory_space<hbm>> -> memref<704x1024xf32, #tpu.memory_space<hbm>>
        tpu.wait_dma2 semaphore(%dma_wait3A_96 : memref<!tpu.dma_semaphore, #tpu.memory_space<semaphore_mem>>) src(%dma_wait3A_104 : memref<704x1024xf32, #tpu.memory_space<hbm>>) dst(%dma_wait3A_100 : memref<704x1024xf32, #tpu.memory_space<vmem>>)
        %dma_wait3A_105 = arith.constant 1 : i32
        %dma_wait3A_106 = arith.constant 1 : i32
        %dma_wait3A_107 = tpu.memref_slice %arg13[%dma_wait3A_106] : memref<3x!tpu.dma_semaphore, #tpu.memory_space<semaphore_mem>> -> memref<1x!tpu.dma_semaphore, #tpu.memory_space<semaphore_mem>>
        %dma_wait3A_108 = tpu.memref_squeeze %dma_wait3A_107 : memref<1x!tpu.dma_semaphore, #tpu.memory_space<semaphore_mem>> -> memref<!tpu.dma_semaphore, #tpu.memory_space<semaphore_mem>>
        %dma_wait3A_109 = arith.constant 0 : i32
        %dma_wait3A_110 = arith.constant 0 : i32
        %dma_wait3A_111 = tpu.memref_slice %arg10[%dma_wait3A_105, %dma_wait3A_109, %dma_wait3A_110] : memref<3x704x1024xf32, #tpu.memory_space<vmem>> -> memref<1x704x1024xf32, #tpu.memory_space<vmem>>
        %dma_wait3A_112 = tpu.memref_squeeze %dma_wait3A_111 : memref<1x704x1024xf32, #tpu.memory_space<vmem>> -> memref<704x1024xf32, #tpu.memory_space<vmem>>
        %dma_wait3A_113 = arith.constant 0 : i32
        %dma_wait3A_114 = arith.constant 0 : i32
        %dma_wait3A_115 = tpu.memref_slice %arg6[%get3A_0, %dma_wait3A_113, %dma_wait3A_114] : memref<8x704x1024xf32, #tpu.memory_space<hbm>> -> memref<1x704x1024xf32, #tpu.memory_space<hbm>>
        %dma_wait3A_116 = tpu.memref_squeeze %dma_wait3A_115 : memref<1x704x1024xf32, #tpu.memory_space<hbm>> -> memref<704x1024xf32, #tpu.memory_space<hbm>>
        tpu.wait_dma2 semaphore(%dma_wait3A_108 : memref<!tpu.dma_semaphore, #tpu.memory_space<semaphore_mem>>) src(%dma_wait3A_116 : memref<704x1024xf32, #tpu.memory_space<hbm>>) dst(%dma_wait3A_112 : memref<704x1024xf32, #tpu.memory_space<vmem>>)
        %dma_wait3A_117 = arith.constant 2 : i32
        %dma_wait3A_118 = arith.constant 2 : i32
        %dma_wait3A_119 = tpu.memref_slice %arg13[%dma_wait3A_118] : memref<3x!tpu.dma_semaphore, #tpu.memory_space<semaphore_mem>> -> memref<1x!tpu.dma_semaphore, #tpu.memory_space<semaphore_mem>>
        %dma_wait3A_120 = tpu.memref_squeeze %dma_wait3A_119 : memref<1x!tpu.dma_semaphore, #tpu.memory_space<semaphore_mem>> -> memref<!tpu.dma_semaphore, #tpu.memory_space<semaphore_mem>>
        %dma_wait3A_121 = arith.constant 0 : i32
        %dma_wait3A_122 = arith.constant 0 : i32
        %dma_wait3A_123 = tpu.memref_slice %arg10[%dma_wait3A_117, %dma_wait3A_121, %dma_wait3A_122] : memref<3x704x1024xf32, #tpu.memory_space<vmem>> -> memref<1x704x1024xf32, #tpu.memory_space<vmem>>
        %dma_wait3A_124 = tpu.memref_squeeze %dma_wait3A_123 : memref<1x704x1024xf32, #tpu.memory_space<vmem>> -> memref<704x1024xf32, #tpu.memory_space<vmem>>
        %dma_wait3A_125 = arith.constant 0 : i32
        %dma_wait3A_126 = arith.constant 0 : i32
        %dma_wait3A_127 = tpu.memref_slice %arg7[%get3A_0, %dma_wait3A_125, %dma_wait3A_126] : memref<8x704x1024xf32, #tpu.memory_space<hbm>> -> memref<1x704x1024xf32, #tpu.memory_space<hbm>>
        %dma_wait3A_128 = tpu.memref_squeeze %dma_wait3A_127 : memref<1x704x1024xf32, #tpu.memory_space<hbm>> -> memref<704x1024xf32, #tpu.memory_space<hbm>>
        tpu.wait_dma2 semaphore(%dma_wait3A_120 : memref<!tpu.dma_semaphore, #tpu.memory_space<semaphore_mem>>) src(%dma_wait3A_128 : memref<704x1024xf32, #tpu.memory_space<hbm>>) dst(%dma_wait3A_124 : memref<704x1024xf32, #tpu.memory_space<vmem>>)
        %get3A_129 = arith.constant 0 : index
        %get3A_130 = arith.constant 0 : index
        %get3A_131 = arith.constant 0 : index
        %get3A_132 = vector.load %arg10[%get3A_129, %get3A_130, %get3A_131] : memref<3x704x1024xf32, #tpu.memory_space<vmem>>, vector<1x704x1024xf32>
        %get3A_133 = vector.shape_cast %get3A_132 : vector<1x704x1024xf32> to vector<704x1024xf32>
        %convert_element_type3A_134 = arith.truncf %get3A_133 : vector<704x1024xf32> to vector<704x1024xbf16>
        %swap3A = arith.constant 0 : index
        %swap3A_135 = arith.constant 0 : index
        %swap3A_136 = arith.constant 0 : index
        %swap3A_137 = vector.load %arg11[%swap3A, %swap3A_135, %swap3A_136] : memref<3x704x1024xbf16, #tpu.memory_space<vmem>>, vector<1x704x1024xbf16>
        %swap3A_138 = vector.shape_cast %swap3A_137 : vector<1x704x1024xbf16> to vector<704x1024xbf16>
        %swap3A_139 = vector.shape_cast %convert_element_type3A_134 : vector<704x1024xbf16> to vector<1x704x1024xbf16>
        tpu.vector_store %arg11[%swap3A, %swap3A_135, %swap3A_136], %swap3A_139 {strides = array<i32>} : memref<3x704x1024xbf16, #tpu.memory_space<vmem>>, vector<1x704x1024xbf16>,
        %get3A_140 = arith.constant 1 : index
        %get3A_141 = arith.constant 0 : index
        %get3A_142 = arith.constant 0 : index
        %get3A_143 = vector.load %arg10[%get3A_140, %get3A_141, %get3A_142] : memref<3x704x1024xf32, #tpu.memory_space<vmem>>, vector<1x704x1024xf32>
        %get3A_144 = vector.shape_cast %get3A_143 : vector<1x704x1024xf32> to vector<704x1024xf32>
        %convert_element_type3A_145 = arith.truncf %get3A_144 : vector<704x1024xf32> to vector<704x1024xbf16>
        %swap3A_146 = arith.constant 1 : index
        %swap3A_147 = arith.constant 0 : index
        %swap3A_148 = arith.constant 0 : index
        %swap3A_149 = vector.load %arg11[%swap3A_146, %swap3A_147, %swap3A_148] : memref<3x704x1024xbf16, #tpu.memory_space<vmem>>, vector<1x704x1024xbf16>
        %swap3A_150 = vector.shape_cast %swap3A_149 : vector<1x704x1024xbf16> to vector<704x1024xbf16>
        %swap3A_151 = vector.shape_cast %convert_element_type3A_145 : vector<704x1024xbf16> to vector<1x704x1024xbf16>
        tpu.vector_store %arg11[%swap3A_146, %swap3A_147, %swap3A_148], %swap3A_151 {strides = array<i32>} : memref<3x704x1024xbf16, #tpu.memory_space<vmem>>, vector<1x704x1024xbf16>,
        %get3A_152 = arith.constant 2 : index
        %get3A_153 = arith.constant 0 : index
        %get3A_154 = arith.constant 0 : index
        %get3A_155 = vector.load %arg10[%get3A_152, %get3A_153, %get3A_154] : memref<3x704x1024xf32, #tpu.memory_space<vmem>>, vector<1x704x1024xf32>
        %get3A_156 = vector.shape_cast %get3A_155 : vector<1x704x1024xf32> to vector<704x1024xf32>
        %convert_element_type3A_157 = arith.truncf %get3A_156 : vector<704x1024xf32> to vector<704x1024xbf16>
        %swap3A_158 = arith.constant 2 : index
        %swap3A_159 = arith.constant 0 : index
        %swap3A_160 = arith.constant 0 : index
        %swap3A_161 = vector.load %arg11[%swap3A_158, %swap3A_159, %swap3A_160] : memref<3x704x1024xbf16, #tpu.memory_space<vmem>>, vector<1x704x1024xbf16>
        %swap3A_162 = vector.shape_cast %swap3A_161 : vector<1x704x1024xbf16> to vector<704x1024xbf16>
        %swap3A_163 = vector.shape_cast %convert_element_type3A_157 : vector<704x1024xbf16> to vector<1x704x1024xbf16>
        tpu.vector_store %arg11[%swap3A_158, %swap3A_159, %swap3A_160], %swap3A_163 {strides = array<i32>} : memref<3x704x1024xbf16, #tpu.memory_space<vmem>>, vector<1x704x1024xbf16>,
      } else {
      }
      %eq3A_84 = arith.constant 0 : i32
      %eq3A_85 = arith.cmpi eq, %select_n3A_33, %eq3A_84 : i32
      %convert_element_type3A_86 = arith.extui %eq3A_85 : i1 to i32
      %cond3A_87 = arith.constant 0 : i32
      %cond3A_88 = arith.cmpi ne, %convert_element_type3A_86, %cond3A_87 : i32
      scf.if %cond3A_88 {
        %dma_start3A = arith.constant 0 : i32
        %dma_start3A_94 = arith.constant 0 : i32
        %dma_start3A_95 = tpu.memref_slice %arg12[%dma_start3A_94] : memref<3x!tpu.dma_semaphore, #tpu.memory_space<semaphore_mem>> -> memref<1x!tpu.dma_semaphore, #tpu.memory_space<semaphore_mem>>
        %dma_start3A_96 = tpu.memref_squeeze %dma_start3A_95 : memref<1x!tpu.dma_semaphore, #tpu.memory_space<semaphore_mem>> -> memref<!tpu.dma_semaphore, #tpu.memory_space<semaphore_mem>>
        %dma_start3A_97 = arith.constant 0 : i32
        %dma_start3A_98 = arith.constant 0 : i32
        %dma_start3A_99 = tpu.memref_slice %arg9[%dma_start3A, %dma_start3A_97, %dma_start3A_98] : memref<3x704x1024xf32, #tpu.memory_space<vmem>> -> memref<1x704x1024xf32, #tpu.memory_space<vmem>>
        %dma_start3A_100 = tpu.memref_squeeze %dma_start3A_99 : memref<1x704x1024xf32, #tpu.memory_space<vmem>> -> memref<704x1024xf32, #tpu.memory_space<vmem>>
        %dma_start3A_101 = arith.constant 0 : i32
        %dma_start3A_102 = arith.constant 0 : i32
        %dma_start3A_103 = tpu.memref_slice %arg5[%get3A_7, %dma_start3A_101, %dma_start3A_102] : memref<8x704x1024xf32, #tpu.memory_space<hbm>> -> memref<1x704x1024xf32, #tpu.memory_space<hbm>>
        %dma_start3A_104 = tpu.memref_squeeze %dma_start3A_103 : memref<1x704x1024xf32, #tpu.memory_space<hbm>> -> memref<704x1024xf32, #tpu.memory_space<hbm>>
        tpu.enqueue_dma source(%dma_start3A_104 : memref<704x1024xf32, #tpu.memory_space<hbm>>) target(%dma_start3A_100 : memref<704x1024xf32, #tpu.memory_space<vmem>>) target_semaphore(%dma_start3A_96 : memref<!tpu.dma_semaphore, #tpu.memory_space<semaphore_mem>>)
        %dma_start3A_105 = arith.constant 1 : i32
        %dma_start3A_106 = arith.constant 1 : i32
        %dma_start3A_107 = tpu.memref_slice %arg12[%dma_start3A_106] : memref<3x!tpu.dma_semaphore, #tpu.memory_space<semaphore_mem>> -> memref<1x!tpu.dma_semaphore, #tpu.memory_space<semaphore_mem>>
        %dma_start3A_108 = tpu.memref_squeeze %dma_start3A_107 : memref<1x!tpu.dma_semaphore, #tpu.memory_space<semaphore_mem>> -> memref<!tpu.dma_semaphore, #tpu.memory_space<semaphore_mem>>
        %dma_start3A_109 = arith.constant 0 : i32
        %dma_start3A_110 = arith.constant 0 : i32
        %dma_start3A_111 = tpu.memref_slice %arg9[%dma_start3A_105, %dma_start3A_109, %dma_start3A_110] : memref<3x704x1024xf32, #tpu.memory_space<vmem>> -> memref<1x704x1024xf32, #tpu.memory_space<vmem>>
        %dma_start3A_112 = tpu.memref_squeeze %dma_start3A_111 : memref<1x704x1024xf32, #tpu.memory_space<vmem>> -> memref<704x1024xf32, #tpu.memory_space<vmem>>
        %dma_start3A_113 = arith.constant 0 : i32
        %dma_start3A_114 = arith.constant 0 : i32
        %dma_start3A_115 = tpu.memref_slice %arg6[%get3A_7, %dma_start3A_113, %dma_start3A_114] : memref<8x704x1024xf32, #tpu.memory_space<hbm>> -> memref<1x704x1024xf32, #tpu.memory_space<hbm>>
        %dma_start3A_116 = tpu.memref_squeeze %dma_start3A_115 : memref<1x704x1024xf32, #tpu.memory_space<hbm>> -> memref<704x1024xf32, #tpu.memory_space<hbm>>
        tpu.enqueue_dma source(%dma_start3A_116 : memref<704x1024xf32, #tpu.memory_space<hbm>>) target(%dma_start3A_112 : memref<704x1024xf32, #tpu.memory_space<vmem>>) target_semaphore(%dma_start3A_108 : memref<!tpu.dma_semaphore, #tpu.memory_space<semaphore_mem>>)
        %dma_start3A_117 = arith.constant 2 : i32
        %dma_start3A_118 = arith.constant 2 : i32
        %dma_start3A_119 = tpu.memref_slice %arg12[%dma_start3A_118] : memref<3x!tpu.dma_semaphore, #tpu.memory_space<semaphore_mem>> -> memref<1x!tpu.dma_semaphore, #tpu.memory_space<semaphore_mem>>
        %dma_start3A_120 = tpu.memref_squeeze %dma_start3A_119 : memref<1x!tpu.dma_semaphore, #tpu.memory_space<semaphore_mem>> -> memref<!tpu.dma_semaphore, #tpu.memory_space<semaphore_mem>>
        %dma_start3A_121 = arith.constant 0 : i32
        %dma_start3A_122 = arith.constant 0 : i32
        %dma_start3A_123 = tpu.memref_slice %arg9[%dma_start3A_117, %dma_start3A_121, %dma_start3A_122] : memref<3x704x1024xf32, #tpu.memory_space<vmem>> -> memref<1x704x1024xf32, #tpu.memory_space<vmem>>
        %dma_start3A_124 = tpu.memref_squeeze %dma_start3A_123 : memref<1x704x1024xf32, #tpu.memory_space<vmem>> -> memref<704x1024xf32, #tpu.memory_space<vmem>>
        %dma_start3A_125 = arith.constant 0 : i32
        %dma_start3A_126 = arith.constant 0 : i32
        %dma_start3A_127 = tpu.memref_slice %arg7[%get3A_7, %dma_start3A_125, %dma_start3A_126] : memref<8x704x1024xf32, #tpu.memory_space<hbm>> -> memref<1x704x1024xf32, #tpu.memory_space<hbm>>
        %dma_start3A_128 = tpu.memref_squeeze %dma_start3A_127 : memref<1x704x1024xf32, #tpu.memory_space<hbm>> -> memref<704x1024xf32, #tpu.memory_space<hbm>>
        tpu.enqueue_dma source(%dma_start3A_128 : memref<704x1024xf32, #tpu.memory_space<hbm>>) target(%dma_start3A_124 : memref<704x1024xf32, #tpu.memory_space<vmem>>) target_semaphore(%dma_start3A_120 : memref<!tpu.dma_semaphore, #tpu.memory_space<semaphore_mem>>)
      } else {
      }
      %eq3A_89 = arith.constant 1 : i32
      %eq3A_90 = arith.cmpi eq, %select_n3A_33, %eq3A_89 : i32
      %convert_element_type3A_91 = arith.extui %eq3A_90 : i1 to i32
      %cond3A_92 = arith.constant 0 : i32
      %cond3A_93 = arith.cmpi ne, %convert_element_type3A_91, %cond3A_92 : i32
      scf.if %cond3A_93 {
        %dma_start3A = arith.constant 0 : i32
        %dma_start3A_94 = arith.constant 0 : i32
        %dma_start3A_95 = tpu.memref_slice %arg13[%dma_start3A_94] : memref<3x!tpu.dma_semaphore, #tpu.memory_space<semaphore_mem>> -> memref<1x!tpu.dma_semaphore, #tpu.memory_space<semaphore_mem>>
        %dma_start3A_96 = tpu.memref_squeeze %dma_start3A_95 : memref<1x!tpu.dma_semaphore, #tpu.memory_space<semaphore_mem>> -> memref<!tpu.dma_semaphore, #tpu.memory_space<semaphore_mem>>
        %dma_start3A_97 = arith.constant 0 : i32
        %dma_start3A_98 = arith.constant 0 : i32
        %dma_start3A_99 = tpu.memref_slice %arg10[%dma_start3A, %dma_start3A_97, %dma_start3A_98] : memref<3x704x1024xf32, #tpu.memory_space<vmem>> -> memref<1x704x1024xf32, #tpu.memory_space<vmem>>
        %dma_start3A_100 = tpu.memref_squeeze %dma_start3A_99 : memref<1x704x1024xf32, #tpu.memory_space<vmem>> -> memref<704x1024xf32, #tpu.memory_space<vmem>>
        %dma_start3A_101 = arith.constant 0 : i32
        %dma_start3A_102 = arith.constant 0 : i32
        %dma_start3A_103 = tpu.memref_slice %arg5[%get3A_7, %dma_start3A_101, %dma_start3A_102] : memref<8x704x1024xf32, #tpu.memory_space<hbm>> -> memref<1x704x1024xf32, #tpu.memory_space<hbm>>
        %dma_start3A_104 = tpu.memref_squeeze %dma_start3A_103 : memref<1x704x1024xf32, #tpu.memory_space<hbm>> -> memref<704x1024xf32, #tpu.memory_space<hbm>>
        tpu.enqueue_dma source(%dma_start3A_104 : memref<704x1024xf32, #tpu.memory_space<hbm>>) target(%dma_start3A_100 : memref<704x1024xf32, #tpu.memory_space<vmem>>) target_semaphore(%dma_start3A_96 : memref<!tpu.dma_semaphore, #tpu.memory_space<semaphore_mem>>)
        %dma_start3A_105 = arith.constant 1 : i32
        %dma_start3A_106 = arith.constant 1 : i32
        %dma_start3A_107 = tpu.memref_slice %arg13[%dma_start3A_106] : memref<3x!tpu.dma_semaphore, #tpu.memory_space<semaphore_mem>> -> memref<1x!tpu.dma_semaphore, #tpu.memory_space<semaphore_mem>>
        %dma_start3A_108 = tpu.memref_squeeze %dma_start3A_107 : memref<1x!tpu.dma_semaphore, #tpu.memory_space<semaphore_mem>> -> memref<!tpu.dma_semaphore, #tpu.memory_space<semaphore_mem>>
        %dma_start3A_109 = arith.constant 0 : i32
        %dma_start3A_110 = arith.constant 0 : i32
        %dma_start3A_111 = tpu.memref_slice %arg10[%dma_start3A_105, %dma_start3A_109, %dma_start3A_110] : memref<3x704x1024xf32, #tpu.memory_space<vmem>> -> memref<1x704x1024xf32, #tpu.memory_space<vmem>>
        %dma_start3A_112 = tpu.memref_squeeze %dma_start3A_111 : memref<1x704x1024xf32, #tpu.memory_space<vmem>> -> memref<704x1024xf32, #tpu.memory_space<vmem>>
        %dma_start3A_113 = arith.constant 0 : i32
        %dma_start3A_114 = arith.constant 0 : i32
        %dma_start3A_115 = tpu.memref_slice %arg6[%get3A_7, %dma_start3A_113, %dma_start3A_114] : memref<8x704x1024xf32, #tpu.memory_space<hbm>> -> memref<1x704x1024xf32, #tpu.memory_space<hbm>>
        %dma_start3A_116 = tpu.memref_squeeze %dma_start3A_115 : memref<1x704x1024xf32, #tpu.memory_space<hbm>> -> memref<704x1024xf32, #tpu.memory_space<hbm>>
        tpu.enqueue_dma source(%dma_start3A_116 : memref<704x1024xf32, #tpu.memory_space<hbm>>) target(%dma_start3A_112 : memref<704x1024xf32, #tpu.memory_space<vmem>>) target_semaphore(%dma_start3A_108 : memref<!tpu.dma_semaphore, #tpu.memory_space<semaphore_mem>>)
        %dma_start3A_117 = arith.constant 2 : i32
        %dma_start3A_118 = arith.constant 2 : i32
        %dma_start3A_119 = tpu.memref_slice %arg13[%dma_start3A_118] : memref<3x!tpu.dma_semaphore, #tpu.memory_space<semaphore_mem>> -> memref<1x!tpu.dma_semaphore, #tpu.memory_space<semaphore_mem>>
        %dma_start3A_120 = tpu.memref_squeeze %dma_start3A_119 : memref<1x!tpu.dma_semaphore, #tpu.memory_space<semaphore_mem>> -> memref<!tpu.dma_semaphore, #tpu.memory_space<semaphore_mem>>
        %dma_start3A_121 = arith.constant 0 : i32
        %dma_start3A_122 = arith.constant 0 : i32
        %dma_start3A_123 = tpu.memref_slice %arg10[%dma_start3A_117, %dma_start3A_121, %dma_start3A_122] : memref<3x704x1024xf32, #tpu.memory_space<vmem>> -> memref<1x704x1024xf32, #tpu.memory_space<vmem>>
        %dma_start3A_124 = tpu.memref_squeeze %dma_start3A_123 : memref<1x704x1024xf32, #tpu.memory_space<vmem>> -> memref<704x1024xf32, #tpu.memory_space<vmem>>
        %dma_start3A_125 = arith.constant 0 : i32
        %dma_start3A_126 = arith.constant 0 : i32
        %dma_start3A_127 = tpu.memref_slice %arg7[%get3A_7, %dma_start3A_125, %dma_start3A_126] : memref<8x704x1024xf32, #tpu.memory_space<hbm>> -> memref<1x704x1024xf32, #tpu.memory_space<hbm>>
        %dma_start3A_128 = tpu.memref_squeeze %dma_start3A_127 : memref<1x704x1024xf32, #tpu.memory_space<hbm>> -> memref<704x1024xf32, #tpu.memory_space<hbm>>
        tpu.enqueue_dma source(%dma_start3A_128 : memref<704x1024xf32, #tpu.memory_space<hbm>>) target(%dma_start3A_124 : memref<704x1024xf32, #tpu.memory_space<vmem>>) target_semaphore(%dma_start3A_120 : memref<!tpu.dma_semaphore, #tpu.memory_space<semaphore_mem>>)
      } else {
      }
    } else {
    }
    %get3A_51 = arith.index_cast %arg0 : i32 to index
    %get3A_52 = memref.load %arg2[%get3A_51] : memref<24xi32, #tpu.memory_space<smem>>
    %ne3A_53 = arith.constant 0 : i32
    %ne3A_54 = arith.cmpi ne, %get3A_52, %ne3A_53 : i32
    %convert_element_type3A_55 = arith.extui %ne3A_54 : i1 to i32
    %cond3A_56 = arith.constant 0 : i32
    %cond3A_57 = arith.cmpi ne, %convert_element_type3A_55, %cond3A_56 : i32
    scf.if %cond3A_57 {
      %get3A_74 = arith.constant 0 : index
      %get3A_75 = arith.constant 0 : index
      %get3A_76 = vector.load %arg4[%get3A_74, %get3A_75] : memref<256x1024xf32, #tpu.memory_space<vmem>>, vector<256x1024xf32>
      %convert_element_type3A_77 = arith.truncf %get3A_76 : vector<256x1024xf32> to vector<256x1024xbf16>
      %get3A_78 = arith.constant 0 : index
      %get3A_79 = arith.constant 0 : index
      %get3A_80 = arith.constant 0 : index
      %get3A_81 = vector.load %arg11[%get3A_78, %get3A_79, %get3A_80] : memref<3x704x1024xbf16, #tpu.memory_space<vmem>>, vector<1x704x1024xbf16>
      %get3A_82 = vector.shape_cast %get3A_81 : vector<1x704x1024xbf16> to vector<704x1024xbf16>
      %dot_general3A = arith.constant dense<0.000000e+00> : vector<256x704xf32>
      %dot_general3A_83 = tpu.matmul %convert_element_type3A_77, %get3A_82, %dot_general3A {dimension_numbers = #tpu.dot_dimension_numbers<[1], [1], [0], [0], [0, 0, 1, 0], [], []>, transpose_lhs_hint = false} : vector<256x1024xbf16>, vector<704x1024xbf16>, vector<256x704xf32> -> vector<256x704xf32>
      %get3A_84 = arith.constant 2 : index
      %get3A_85 = arith.constant 0 : index
      %get3A_86 = arith.constant 0 : index
      %get3A_87 = vector.load %arg11[%get3A_84, %get3A_85, %get3A_86] : memref<3x704x1024xbf16, #tpu.memory_space<vmem>>, vector<1x704x1024xbf16>
      %get3A_88 = vector.shape_cast %get3A_87 : vector<1x704x1024xbf16> to vector<704x1024xbf16>
      %dot_general3A_89 = arith.constant dense<0.000000e+00> : vector<256x704xf32>
      %dot_general3A_90 = tpu.matmul %convert_element_type3A_77, %get3A_88, %dot_general3A_89 {dimension_numbers = #tpu.dot_dimension_numbers<[1], [1], [0], [0], [0, 0, 1, 0], [], []>, transpose_lhs_hint = false} : vector<256x1024xbf16>, vector<704x1024xbf16>, vector<256x704xf32> -> vector<256x704xf32>
      %neg3A = arith.constant 0.000000e+00 : f32
      %neg3A_91 = vector.broadcast %neg3A : f32 to vector<256x704xf32>
      %neg3A_92 = arith.subf %neg3A_91, %dot_general3A_83 : vector<256x704xf32>
      %exp3A = math.exp %neg3A_92 : vector<256x704xf32>
      %add3A_93 = arith.constant 1.000000e+00 : f32
      %add3A_94 = vector.broadcast %add3A_93 : f32 to vector<256x704xf32>
      %add3A_95 = arith.addf %add3A_94, %exp3A : vector<256x704xf32>
      %div3A = arith.divf %dot_general3A_83, %add3A_95 : vector<256x704xf32>
      %mul3A = arith.mulf %div3A, %dot_general3A_90 : vector<256x704xf32>
      %convert_element_type3A_96 = arith.truncf %mul3A : vector<256x704xf32> to vector<256x704xbf16>
      %get3A_97 = arith.constant 1 : index
      %get3A_98 = arith.constant 0 : index
      %get3A_99 = arith.constant 0 : index
      %get3A_100 = vector.load %arg11[%get3A_97, %get3A_98, %get3A_99] : memref<3x704x1024xbf16, #tpu.memory_space<vmem>>, vector<1x704x1024xbf16>
      %get3A_101 = vector.shape_cast %get3A_100 : vector<1x704x1024xbf16> to vector<704x1024xbf16>
      %dot_general3A_102 = arith.constant dense<0.000000e+00> : vector<256x1024xf32>
      %dot_general3A_103 = tpu.matmul %convert_element_type3A_96, %get3A_101, %dot_general3A_102 {dimension_numbers = #tpu.dot_dimension_numbers<[1], [0], [0], [1], [0, 0, 1, 1], [], []>, transpose_lhs_hint = false} : vector<256x704xbf16>, vector<704x1024xbf16>, vector<256x1024xf32> -> vector<256x1024xf32>
      %swap3A = arith.constant 0 : index
      %swap3A_104 = arith.constant 0 : index
      %swap3A_105 = vector.load %arg8[%swap3A, %swap3A_104] : memref<256x1024xf32, #tpu.memory_space<vmem>>, vector<256x1024xf32>
      tpu.vector_store %arg8[%swap3A, %swap3A_104], %dot_general3A_103 {strides = array<i32>} : memref<256x1024xf32, #tpu.memory_space<vmem>>, vector<256x1024xf32>,
    } else {
    }
    %eq3A_58 = arith.constant 23 : i32
    %eq3A_59 = arith.cmpi eq, %arg0, %eq3A_58 : i32
    %eq3A_60 = arith.constant 0 : i32
    %eq3A_61 = arith.cmpi eq, %select_n3A_33, %eq3A_60 : i32
    %and3A_62 = arith.andi %eq3A_59, %eq3A_61 : i1
    %convert_element_type3A_63 = arith.extui %and3A_62 : i1 to i32
    %cond3A_64 = arith.constant 0 : i32
    %cond3A_65 = arith.cmpi ne, %convert_element_type3A_63, %cond3A_64 : i32
    scf.if %cond3A_65 {
      %dma_wait3A = arith.constant 0 : i32
      %dma_wait3A_74 = arith.constant 0 : i32
      %dma_wait3A_75 = tpu.memref_slice %arg12[%dma_wait3A_74] : memref<3x!tpu.dma_semaphore, #tpu.memory_space<semaphore_mem>> -> memref<1x!tpu.dma_semaphore, #tpu.memory_space<semaphore_mem>>
      %dma_wait3A_76 = tpu.memref_squeeze %dma_wait3A_75 : memref<1x!tpu.dma_semaphore, #tpu.memory_space<semaphore_mem>> -> memref<!tpu.dma_semaphore, #tpu.memory_space<semaphore_mem>>
      %dma_wait3A_77 = arith.constant 0 : i32
      %dma_wait3A_78 = arith.constant 0 : i32
      %dma_wait3A_79 = tpu.memref_slice %arg9[%dma_wait3A, %dma_wait3A_77, %dma_wait3A_78] : memref<3x704x1024xf32, #tpu.memory_space<vmem>> -> memref<1x704x1024xf32, #tpu.memory_space<vmem>>
      %dma_wait3A_80 = tpu.memref_squeeze %dma_wait3A_79 : memref<1x704x1024xf32, #tpu.memory_space<vmem>> -> memref<704x1024xf32, #tpu.memory_space<vmem>>
      %dma_wait3A_81 = arith.constant 0 : i32
      %dma_wait3A_82 = arith.constant 0 : i32
      %dma_wait3A_83 = tpu.memref_slice %arg5[%get3A_7, %dma_wait3A_81, %dma_wait3A_82] : memref<8x704x1024xf32, #tpu.memory_space<hbm>> -> memref<1x704x1024xf32, #tpu.memory_space<hbm>>
      %dma_wait3A_84 = tpu.memref_squeeze %dma_wait3A_83 : memref<1x704x1024xf32, #tpu.memory_space<hbm>> -> memref<704x1024xf32, #tpu.memory_space<hbm>>
      tpu.wait_dma2 semaphore(%dma_wait3A_76 : memref<!tpu.dma_semaphore, #tpu.memory_space<semaphore_mem>>) src(%dma_wait3A_84 : memref<704x1024xf32, #tpu.memory_space<hbm>>) dst(%dma_wait3A_80 : memref<704x1024xf32, #tpu.memory_space<vmem>>)
      %dma_wait3A_85 = arith.constant 1 : i32
      %dma_wait3A_86 = arith.constant 1 : i32
      %dma_wait3A_87 = tpu.memref_slice %arg12[%dma_wait3A_86] : memref<3x!tpu.dma_semaphore, #tpu.memory_space<semaphore_mem>> -> memref<1x!tpu.dma_semaphore, #tpu.memory_space<semaphore_mem>>
      %dma_wait3A_88 = tpu.memref_squeeze %dma_wait3A_87 : memref<1x!tpu.dma_semaphore, #tpu.memory_space<semaphore_mem>> -> memref<!tpu.dma_semaphore, #tpu.memory_space<semaphore_mem>>
      %dma_wait3A_89 = arith.constant 0 : i32
      %dma_wait3A_90 = arith.constant 0 : i32
      %dma_wait3A_91 = tpu.memref_slice %arg9[%dma_wait3A_85, %dma_wait3A_89, %dma_wait3A_90] : memref<3x704x1024xf32, #tpu.memory_space<vmem>> -> memref<1x704x1024xf32, #tpu.memory_space<vmem>>
      %dma_wait3A_92 = tpu.memref_squeeze %dma_wait3A_91 : memref<1x704x1024xf32, #tpu.memory_space<vmem>> -> memref<704x1024xf32, #tpu.memory_space<vmem>>
      %dma_wait3A_93 = arith.constant 0 : i32
      %dma_wait3A_94 = arith.constant 0 : i32
      %dma_wait3A_95 = tpu.memref_slice %arg6[%get3A_7, %dma_wait3A_93, %dma_wait3A_94] : memref<8x704x1024xf32, #tpu.memory_space<hbm>> -> memref<1x704x1024xf32, #tpu.memory_space<hbm>>
      %dma_wait3A_96 = tpu.memref_squeeze %dma_wait3A_95 : memref<1x704x1024xf32, #tpu.memory_space<hbm>> -> memref<704x1024xf32, #tpu.memory_space<hbm>>
      tpu.wait_dma2 semaphore(%dma_wait3A_88 : memref<!tpu.dma_semaphore, #tpu.memory_space<semaphore_mem>>) src(%dma_wait3A_96 : memref<704x1024xf32, #tpu.memory_space<hbm>>) dst(%dma_wait3A_92 : memref<704x1024xf32, #tpu.memory_space<vmem>>)
      %dma_wait3A_97 = arith.constant 2 : i32
      %dma_wait3A_98 = arith.constant 2 : i32
      %dma_wait3A_99 = tpu.memref_slice %arg12[%dma_wait3A_98] : memref<3x!tpu.dma_semaphore, #tpu.memory_space<semaphore_mem>> -> memref<1x!tpu.dma_semaphore, #tpu.memory_space<semaphore_mem>>
      %dma_wait3A_100 = tpu.memref_squeeze %dma_wait3A_99 : memref<1x!tpu.dma_semaphore, #tpu.memory_space<semaphore_mem>> -> memref<!tpu.dma_semaphore, #tpu.memory_space<semaphore_mem>>
      %dma_wait3A_101 = arith.constant 0 : i32
      %dma_wait3A_102 = arith.constant 0 : i32
      %dma_wait3A_103 = tpu.memref_slice %arg9[%dma_wait3A_97, %dma_wait3A_101, %dma_wait3A_102] : memref<3x704x1024xf32, #tpu.memory_space<vmem>> -> memref<1x704x1024xf32, #tpu.memory_space<vmem>>
      %dma_wait3A_104 = tpu.memref_squeeze %dma_wait3A_103 : memref<1x704x1024xf32, #tpu.memory_space<vmem>> -> memref<704x1024xf32, #tpu.memory_space<vmem>>
      %dma_wait3A_105 = arith.constant 0 : i32
      %dma_wait3A_106 = arith.constant 0 : i32
      %dma_wait3A_107 = tpu.memref_slice %arg7[%get3A_7, %dma_wait3A_105, %dma_wait3A_106] : memref<8x704x1024xf32, #tpu.memory_space<hbm>> -> memref<1x704x1024xf32, #tpu.memory_space<hbm>>
      %dma_wait3A_108 = tpu.memref_squeeze %dma_wait3A_107 : memref<1x704x1024xf32, #tpu.memory_space<hbm>> -> memref<704x1024xf32, #tpu.memory_space<hbm>>
      tpu.wait_dma2 semaphore(%dma_wait3A_100 : memref<!tpu.dma_semaphore, #tpu.memory_space<semaphore_mem>>) src(%dma_wait3A_108 : memref<704x1024xf32, #tpu.memory_space<hbm>>) dst(%dma_wait3A_104 : memref<704x1024xf32, #tpu.memory_space<vmem>>)
    } else {
    }
    %eq3A_66 = arith.constant 23 : i32
    %eq3A_67 = arith.cmpi eq, %arg0, %eq3A_66 : i32
    %eq3A_68 = arith.constant 1 : i32
    %eq3A_69 = arith.cmpi eq, %select_n3A_33, %eq3A_68 : i32
    %and3A_70 = arith.andi %eq3A_67, %eq3A_69 : i1
    %convert_element_type3A_71 = arith.extui %and3A_70 : i1 to i32
    %cond3A_72 = arith.constant 0 : i32
    %cond3A_73 = arith.cmpi ne, %convert_element_type3A_71, %cond3A_72 : i32
    scf.if %cond3A_73 {
      %dma_wait3A = arith.constant 0 : i32
      %dma_wait3A_74 = arith.constant 0 : i32
      %dma_wait3A_75 = tpu.memref_slice %arg13[%dma_wait3A_74] : memref<3x!tpu.dma_semaphore, #tpu.memory_space<semaphore_mem>> -> memref<1x!tpu.dma_semaphore, #tpu.memory_space<semaphore_mem>>
      %dma_wait3A_76 = tpu.memref_squeeze %dma_wait3A_75 : memref<1x!tpu.dma_semaphore, #tpu.memory_space<semaphore_mem>> -> memref<!tpu.dma_semaphore, #tpu.memory_space<semaphore_mem>>
      %dma_wait3A_77 = arith.constant 0 : i32
      %dma_wait3A_78 = arith.constant 0 : i32
      %dma_wait3A_79 = tpu.memref_slice %arg10[%dma_wait3A, %dma_wait3A_77, %dma_wait3A_78] : memref<3x704x1024xf32, #tpu.memory_space<vmem>> -> memref<1x704x1024xf32, #tpu.memory_space<vmem>>
      %dma_wait3A_80 = tpu.memref_squeeze %dma_wait3A_79 : memref<1x704x1024xf32, #tpu.memory_space<vmem>> -> memref<704x1024xf32, #tpu.memory_space<vmem>>
      %dma_wait3A_81 = arith.constant 0 : i32
      %dma_wait3A_82 = arith.constant 0 : i32
      %dma_wait3A_83 = tpu.memref_slice %arg5[%get3A_7, %dma_wait3A_81, %dma_wait3A_82] : memref<8x704x1024xf32, #tpu.memory_space<hbm>> -> memref<1x704x1024xf32, #tpu.memory_space<hbm>>
      %dma_wait3A_84 = tpu.memref_squeeze %dma_wait3A_83 : memref<1x704x1024xf32, #tpu.memory_space<hbm>> -> memref<704x1024xf32, #tpu.memory_space<hbm>>
      tpu.wait_dma2 semaphore(%dma_wait3A_76 : memref<!tpu.dma_semaphore, #tpu.memory_space<semaphore_mem>>) src(%dma_wait3A_84 : memref<704x1024xf32, #tpu.memory_space<hbm>>) dst(%dma_wait3A_80 : memref<704x1024xf32, #tpu.memory_space<vmem>>)
      %dma_wait3A_85 = arith.constant 1 : i32
      %dma_wait3A_86 = arith.constant 1 : i32
      %dma_wait3A_87 = tpu.memref_slice %arg13[%dma_wait3A_86] : memref<3x!tpu.dma_semaphore, #tpu.memory_space<semaphore_mem>> -> memref<1x!tpu.dma_semaphore, #tpu.memory_space<semaphore_mem>>
      %dma_wait3A_88 = tpu.memref_squeeze %dma_wait3A_87 : memref<1x!tpu.dma_semaphore, #tpu.memory_space<semaphore_mem>> -> memref<!tpu.dma_semaphore, #tpu.memory_space<semaphore_mem>>
      %dma_wait3A_89 = arith.constant 0 : i32
      %dma_wait3A_90 = arith.constant 0 : i32
      %dma_wait3A_91 = tpu.memref_slice %arg10[%dma_wait3A_85, %dma_wait3A_89, %dma_wait3A_90] : memref<3x704x1024xf32, #tpu.memory_space<vmem>> -> memref<1x704x1024xf32, #tpu.memory_space<vmem>>
      %dma_wait3A_92 = tpu.memref_squeeze %dma_wait3A_91 : memref<1x704x1024xf32, #tpu.memory_space<vmem>> -> memref<704x1024xf32, #tpu.memory_space<vmem>>
      %dma_wait3A_93 = arith.constant 0 : i32
      %dma_wait3A_94 = arith.constant 0 : i32
      %dma_wait3A_95 = tpu.memref_slice %arg6[%get3A_7, %dma_wait3A_93, %dma_wait3A_94] : memref<8x704x1024xf32, #tpu.memory_space<hbm>> -> memref<1x704x1024xf32, #tpu.memory_space<hbm>>
      %dma_wait3A_96 = tpu.memref_squeeze %dma_wait3A_95 : memref<1x704x1024xf32, #tpu.memory_space<hbm>> -> memref<704x1024xf32, #tpu.memory_space<hbm>>
      tpu.wait_dma2 semaphore(%dma_wait3A_88 : memref<!tpu.dma_semaphore, #tpu.memory_space<semaphore_mem>>) src(%dma_wait3A_96 : memref<704x1024xf32, #tpu.memory_space<hbm>>) dst(%dma_wait3A_92 : memref<704x1024xf32, #tpu.memory_space<vmem>>)
      %dma_wait3A_97 = arith.constant 2 : i32
      %dma_wait3A_98 = arith.constant 2 : i32
      %dma_wait3A_99 = tpu.memref_slice %arg13[%dma_wait3A_98] : memref<3x!tpu.dma_semaphore, #tpu.memory_space<semaphore_mem>> -> memref<1x!tpu.dma_semaphore, #tpu.memory_space<semaphore_mem>>
      %dma_wait3A_100 = tpu.memref_squeeze %dma_wait3A_99 : memref<1x!tpu.dma_semaphore, #tpu.memory_space<semaphore_mem>> -> memref<!tpu.dma_semaphore, #tpu.memory_space<semaphore_mem>>
      %dma_wait3A_101 = arith.constant 0 : i32
      %dma_wait3A_102 = arith.constant 0 : i32
      %dma_wait3A_103 = tpu.memref_slice %arg10[%dma_wait3A_97, %dma_wait3A_101, %dma_wait3A_102] : memref<3x704x1024xf32, #tpu.memory_space<vmem>> -> memref<1x704x1024xf32, #tpu.memory_space<vmem>>
      %dma_wait3A_104 = tpu.memref_squeeze %dma_wait3A_103 : memref<1x704x1024xf32, #tpu.memory_space<vmem>> -> memref<704x1024xf32, #tpu.memory_space<vmem>>
      %dma_wait3A_105 = arith.constant 0 : i32
      %dma_wait3A_106 = arith.constant 0 : i32
      %dma_wait3A_107 = tpu.memref_slice %arg7[%get3A_7, %dma_wait3A_105, %dma_wait3A_106] : memref<8x704x1024xf32, #tpu.memory_space<hbm>> -> memref<1x704x1024xf32, #tpu.memory_space<hbm>>
      %dma_wait3A_108 = tpu.memref_squeeze %dma_wait3A_107 : memref<1x704x1024xf32, #tpu.memory_space<hbm>> -> memref<704x1024xf32, #tpu.memory_space<hbm>>
      tpu.wait_dma2 semaphore(%dma_wait3A_100 : memref<!tpu.dma_semaphore, #tpu.memory_space<semaphore_mem>>) src(%dma_wait3A_108 : memref<704x1024xf32, #tpu.memory_space<hbm>>) dst(%dma_wait3A_104 : memref<704x1024xf32, #tpu.memory_space<vmem>>)
    } else {
    }
    return
  }
  func.func @transform_0(%arg0: i32, %arg1: memref<24xi32, #tpu.memory_space<smem>>, %arg2: memref<24xi32, #tpu.memory_space<smem>>, %arg3: memref<24xi32, #tpu.memory_space<smem>>) -> (i32, i32) {
    %c0_i32 = arith.constant 0 : i32
    %c0_i32_0 = arith.constant 0 : i32
    return %arg0, %c0_i32 : i32, i32
  }
  func.func @transform_4(%arg0: i32, %arg1: memref<24xi32, #tpu.memory_space<smem>>, %arg2: memref<24xi32, #tpu.memory_space<smem>>, %arg3: memref<24xi32, #tpu.memory_space<smem>>) -> (i32, i32) {
    %c0_i32 = arith.constant 0 : i32
    %c0_i32_0 = arith.constant 0 : i32
    return %arg0, %c0_i32 : i32, i32
  }
}

</mosaic_0001>

<sc_bundles>
// kernel: kernel.11.cloned.1.call-start
scs
__scs_entry_jumppad:
0x0: {  	(pc) =	sbr.rel $0x88, $3  }
0x1: {  	(tag) =	ssettag $0x0;
	lr =	simm.s32 $0x1  }
0x2: {  	[smem:$0x3F98] =	sst lr;
	_ =	strace $0xD0000000  }
0x3: {  	_ = 	snop  }
0x4: {  	_ = 	snop  }
0x5: {  	_ = 	snop  }
0x6: {  	_ = 	snop  }
0x7: {  	_ = 	snop  }
__scs_overlays_trampoline_lowered:
0x8: {  	[smem:$0x3FA7] =	sst s0  }
0x9: {  	[smem:$0x3FA8] =	sst s1  }
0xa: {  	[smem:$0x3FA9] =	sst s2  }
0xb: {  	[smem:$0x3FAA] =	sst s3  }
0xc: {  	[smem:$0x3FAB] =	sst s4  }
0xd: {  	[smem:$0x3FAC] =	sst s5  }
0xe: {  	[smem:$0x3FAD] =	sst s6  }
0xf: {  	[smem:$0x3FAE] =	sst s7  }
0x10: {  	[smem:$0x3FAF] =	sst s8  }
0x11: {  	[smem:$0x3FB0] =	sst s9;
	s0 =	simm.s32 @!p0 $0x0  }
0x12: {  	s1 =	sld [smem:$0x3F96];
	s0 =	simm.s32 @p0 $0x1  }
0x13: {  	[smem:$0x3FB1] =	sst s0;
	s0 =	simm.s32 @!p1 $0x0  }
0x14: {  	s2 =	sld [smem:$0x3F95];
	s0 =	simm.s32 @p1 $0x1  }
0x15: {  	[smem:$0x3FB2] =	sst s0;
	s0 =	simm.s32 @!p2 $0x0  }
0x16: {  	s3 =	sld [smem:$0x3FDB];
	s0 =	simm.s32 @p2 $0x1  }
0x17: {  	s4 =	simm.s32 $0x1BF5;
	[smem:$0x3FB4] =	sst s0  }
0x18: {  	s0 =	sld [smem:$0x3F97];
	_ =	swait.ge [sflag:s4], $0x0  }
0x19: {  	s7 =	sld [smem:$0x3F98]  }
0x1a: {  	s8 =	sadd.s32 $0xFFFFE003, lr  }
0x1b: {  	s9 =	sadd.s32 $0xFFFFFEF7, lr;
	s5 =	simm.s32 $0xFFFFFFFF;
	p2 =	slt.u32 s8, $0xFFFFF086  }
0x1c: {  	p1 =	slt.u32 s9, $0xF7A;
	s5 =	simm.s32 @!p2 $0x0  }
0x1d: {  	s5 =	simm.s32 @p1 $0x1;
	p0 =	seq.s32 s7, s2  }
0x1e: {  	s7 =	smul.u32 @!p0 $0xF7A, s2;
	p2 =	seq.s32 @!p0 s5, $0x0  }
0x1f: {  	s9 =	smul.u32 $0xF7A, s1;
	s8 =	simm.s32 @!p0 $0x1BF5;
	p2 =	por !p2, p0  }
0x20: {  	[sflag:s8] =	ssyncset.s32 @!p0 $0xFFFFF086;
	s6 =	sadd.s32 @!p0 s3, s7;
	s7 =	simm.s32 @!p0 $0x108  }
0x21: {  	s3 =	sadd.s32 s3, s9;
	s6 =	sadd.s32 @!p0 $0x88, s6;
	s7 =	simm.s32 @p2 $0x1082  }
0x22: {  	[simem:s7], [sflag:s8] =	dma.local @!p0 [hbm:s6], $0xF7A  }
0x23: {  	s9 =	sor.u32 $0xD0000000, s2;
	s6 =	simm.s32 $0x108;
	_ =	swait.ge @!p0 [sflag:s8], $0x0  }
0x24: {  	s3 =	sadd.s32 $0x88, s3;
	s6 =	simm.s32 @!p1 $0x1082;
	[sflag:s4] =	ssyncset.s32 $0xFFFFF086  }
0x25: {  	[simem:s6], [sflag:s4] =	dma.local [hbm:s3], $0xF7A  }
0x26: {  	[smem:$0x3F98] =	sst s1;
	(tag) =	ssettag s2;
	_ =	strace s9  }
0x27: {  	s1 =	sld [smem:$0x3FA8]  }
0x28: {  	s2 =	sld [smem:$0x3FA9]  }
0x29: {  	s4 =	sld [smem:$0x3FAB]  }
0x2a: {  	p0 =	seq.s32 s5, $0x0;
	s5 =	sld [smem:$0x3FAC]  }
0x2b: {  	s6 =	sld [smem:$0x3FAD]  }
0x2c: {  	s7 =	sld [smem:$0x3FAE]  }
0x2d: {  	s3 =	simm.s32 $0x108;
	s8 =	sld [smem:$0x3FAF]  }
0x2e: {  	s3 =	simm.s32 @!p0 $0x1082;
	s9 =	sld [smem:$0x3FB0]  }
0x2f: {  	lr =	sadd.s32 s0, s3;
	s0 =	sld [smem:$0x3FA7]  }
0x30: {  	s3 =	sld [smem:$0x3FAA]  }
0x31: {  	[smem:$0x3FB3] =	sst s10  }
0x32: {  	s10 =	sld [smem:$0x3FB1];
	_ =	sdelay $0x3  }
0x33: {  	p0 =	seq.s32 s10, $0x1;
	s10 =	sld [smem:$0x3FB3];
	_ =	sdelay $0x3  }
0x34: {  	[smem:$0x3FB3] =	sst s10  }
0x35: {  	s10 =	sld [smem:$0x3FB2];
	_ =	sdelay $0x3  }
0x36: {  	p1 =	seq.s32 s10, $0x1;
	s10 =	sld [smem:$0x3FB3];
	_ =	sdelay $0x3  }
0x37: {  	[smem:$0x3FB3] =	sst s10  }
0x38: {  	s10 =	sld [smem:$0x3FB4]  }
0x39: {  	_ = 	snop;
	(pc) =	sbr.ind lr, $3  }
0x3a: {  	_ = 	snop  }
0x3b: {  	_ = 	snop  }
0x3c: {  	p2 =	seq.s32 s10, $0x1;
	s10 =	sld [smem:$0x3FB3]  }
0x3d: {  	_ =	shalt  }
0x3e: {  	_ =	shalt  }
0x3f: {  	_ =	shalt  }
0x40: {  	_ =	shalt  }
0x41: {  	_ =	shalt  }
0x42: {  	_ =	shalt  }
0x43: {  	_ =	shalt  }
0x44: {  	_ =	shalt  }
0x45: {  	_ =	shalt  }
0x46: {  	_ =	shalt  }
0x47: {  	_ =	shalt  }
0x48: {  	_ =	shalt  }
0x49: {  	_ =	shalt  }
0x4a: {  	_ =	shalt  }
0x4b: {  	_ =	shalt  }
0x4c: {  	_ =	shalt  }
0x4d: {  	_ =	shalt  }
0x4e: {  	_ =	shalt  }
0x4f: {  	_ =	shalt  }
0x50: {  	_ =	shalt  }
0x51: {  	_ =	shalt  }
0x52: {  	_ =	shalt  }
0x53: {  	_ =	shalt  }
0x54: {  	_ =	shalt  }
0x55: {  	_ =	shalt  }
0x56: {  	_ =	shalt  }
0x57: {  	_ =	shalt  }
0x58: {  	_ =	shalt  }
0x59: {  	_ =	shalt  }
0x5a: {  	_ =	shalt  }
0x5b: {  	_ =	shalt  }
0x5c: {  	_ =	shalt  }
0x5d: {  	_ =	shalt  }
0x5e: {  	_ =	shalt  }
0x5f: {  	_ =	shalt  }
0x60: {  	_ =	shalt  }
0x61: {  	_ =	shalt  }
0x62: {  	_ =	shalt  }
0x63: {  	_ =	shalt  }
0x64: {  	_ =	shalt  }
0x65: {  	_ =	shalt  }
0x66: {  	_ =	shalt  }
0x67: {  	_ =	shalt  }
0x68: {  	_ =	shalt  }
0x69: {  	_ =	shalt  }
0x6a: {  	_ =	shalt  }
0x6b: {  	_ =	shalt  }
0x6c: {  	_ =	shalt  }
0x6d: {  	_ =	shalt  }
0x6e: {  	_ =	shalt  }
0x6f: {  	_ =	shalt  }
0x70: {  	_ =	shalt  }
0x71: {  	_ =	shalt  }
0x72: {  	_ =	shalt  }
0x73: {  	_ =	shalt  }
0x74: {  	_ =	shalt  }
0x75: {  	_ =	shalt  }
0x76: {  	_ =	shalt  }
0x77: {  	_ =	shalt  }
0x78: {  	_ =	shalt  }
0x79: {  	_ =	shalt  }
0x7a: {  	_ =	shalt  }
0x7b: {  	_ =	shalt  }
0x7c: {  	_ =	shalt  }
0x7d: {  	_ =	shalt  }
0x7e: {  	_ =	shalt  }
0x7f: {  	_ =	shalt  }
0x80: {  	_ =	shalt  }
0x81: {  	_ =	shalt  }
0x82: {  	_ =	shalt  }
0x83: {  	_ =	shalt  }
0x84: {  	_ =	shalt  }
0x85: {  	_ =	shalt  }
0x86: {  	_ =	shalt  }
0x87: {  	_ =	shalt  }
.Lfunc_end0:
.L_simem_size_0:
called_computation.1_lowered:
.L_overlay_start_0:
0x88: {  	s2 =	sld [smem:$0x3FD9]  }
0x89: {  	s3 =	sld [smem:$0x3FFE];
	_ =	sdelay $0x1  }
0x8a: {  	s1 =	srdreg.scid  }
0x8b: {  	s0 =	sand.u32 $0x1, s1  }
0x8c: {  	s17 =	sshll.u32 s0, $0xA;
	s2 =	sadd.s32 s3, s2  }
0x8d: {  	s2 =	sadd.s32 s2, s17  }
0x8e: {  	[smem:$0x3FBF] =	sst s2  }
0x8f: {  	_ = 	snop  }
0x90: {  	s2 =	sld [smem:$0x3FD0];
	(tm) =	ssettm $0x1  }
0x91: {  	s18 =	sld [smem:$0x3FFB];
	_ =	sdelay $0x3  }
0x92: {  	_ =	strace s18  }
0x93: {  	s3 =	sld [smem:$0x3FFC];
	_ =	sdelay $0x3  }
0x94: {  	_ =	strace s3  }
0x95: {  	s3 =	sld [smem:$0x3FFD];
	_ =	sdelay $0x3  }
0x96: {  	_ =	strace s3  }
0x97: {  	_ =	strace $0x8FFFFFFF  }
0x98: {  	s19 =	sld [smem:$0x3FDB];
	_ =	sdelay $0x1  }
0x99: {  	s4 =	simm.s32 $_scs_section_size  }
0x9a: {  	s5 =	simm.s32 $_size__tile_overlayer_lowered;
	s6 =	simm.s32 $_tile_overlayer_lowered  }
0x9b: {  	s22 =	simm.s32 $0x1BFF;
	s21 =	sshll.u32 s6, $0x1;
	s3 =	sadd.s32 s4, s19  }
0x9c: {  	s7 =	simm.s32 $0x0;
	s20 =	sshll.u32 s5, $0x1;
	s5 =	sadd.s32 s21, s3  }
0x9d: {  	[timem:s7], [sflag:s22] =	dma.local [hbm:s5], s20  }
0x9e: {  	_ =	swait.ge [sflag:s22], s20  }
0x9f: {  	s4 =	ssub.s32 $0x0, s20;
	[sflag:s22] =	ssyncset.done $0x0  }
0xa0: {  	[sflag:s22] =	ssyncadd.s32 s4;
	_ =	sdelay $0x1  }
0xa1: {  	s23 =	simm.s32 $0x1B8B  }
0xa2: {  	_ =	swait.ge [sflag:s23], $0x1  }
0xa3: {  	[sflag:s23] =	ssyncset.done $0x0  }
0xa4: {  	s25 =	simm.s32 $0x1B8E;
	s24 =	sld [smem:$0x3FFE];
	[sflag:s23] =	ssyncadd.s32 $0xFFFFFFFF  }
0xa5: {  	s26 =	simm.s32 $execute0_lowered;
	[smem:$0x3FD2] =	sst s25  }
0xa6: {  	s5 =	sshll.u32 s26, $0x1;
	_ =	strace $0x80000049;
	[dreg:$0x1] =	wrdreg $0xFFFFFFFF  }
0xa7: {  	s28 =	simm.s32 $_size_execute0_lowered;
	s3 =	sadd.s32 s3, s5;
	[dreg:$0x0] =	wrdreg $0x0  }
0xa8: {  	s5 =	sshll.u32 s28, $0x1;
	[dreg:$0x2] =	wrdreg s3  }
0xa9: {  	[dreg:$0x3] =	wrdreg s5  }
0xaa: {  	[dreg:$0x4] =	wrdreg $0xC0  }
0xab: {  	_ =	task [dreg:s7], $0x5FFFF  }
0xac: {  	[dreg:$0x1] =	wrdreg $0xFFFFFFFF  }
0xad: {  	[dreg:$0x0] =	wrdreg $0x60  }
0xae: {  	[dreg:$0x2] =	wrdreg s24  }
0xaf: {  	[dreg:$0x3] =	wrdreg s2  }
0xb0: {  	[dreg:$0x4] =	wrdreg $0x9  }
0xb1: {  	_ =	task.clear_ibuf [dreg:s7], $0x5FFFF;
	_ =	strace $0x90000049  }
0xb2: {  	s29 =	simm.s32 $0x9;
	_ =	strace $0x8000004B  }
0xb3: {  	_ =	swait.ge [sflag:s29], $0x1  }
0xb4: {  	[sflag:s29] =	ssyncadd.s32 $0xFFFFFFFF  }
0xb5: {  	_ =	strace $0x9000004B  }
0xb6: {  	_ =	sfence  }
0xb7: {  	s30 =	sld [smem:$0x0];
	_ =	sdelay $0x2  }
0xb8: {  	s31 =	sshll.u32 s1, $0xD;
	s1 =	sshrl.u32 s1, $0x2  }
0xb9: {  	s3 =	sand.u32 $0x4000, s31;
	s1 =	sadd.s32 s1, s30  }
0xba: {  	s0 =	sor.u32 s3, s0;
	s1 =	sshll.u32 s1, $0x11  }
0xbb: {  	s0 =	sor.u32 s1, s0  }
0xbc: {  	s0 =	sadd.s32 $0x8F2B, s0  }
0xbd: {  	[sflag:s0] =	ssyncadd.remote.s32 $0x1  }
0xbe: {  	_ =	sfence.sel $0xFFFF  }
0xbf: {  	[dreg:$0x0] =	wrdreg $0xFFFFFFFF;
	(pc) =	sbr.abs _section_cstart, $3  }
0xc0: {  	[dreg:$0x1] =	wrdreg $0xFFFFFFFF  }
0xc1: {  	_ =	task.clear_ibuf [dreg:s7], $0x2FFFF;
	_ =	strace $0x9FFFFFFF  }
0xc2: {  	(tm) =	ssettm $0x7FFFFFFF  }
0xc3: {  	_ =	shalt  }
tec
execute0_lowered:
.L_overlay_start_1:
0x0: {  	(tag) =	ssettag $0x1  }
0x1: {  	s0 =	rddreg [dreg:$0x0]  }
0x2: {  	s1 =	rddreg [dreg:$0x1];
	s3 =	srdreg.scid  }
0x3: {  	s2 =	simm.s32 $0x0;
	s5 =	stileid.u32;
	s9 =	simm.s32 $0x2  }
0x4: {  	s17 =	simm.s32 $0x1;
	s19 =	simm.s32 $0x10000;
	s20 =	simm.s32 $0x800  }
0x5: {  	s21 =	simm.s32 $0x1000;
	s28 =	simm.s32 $0x4000;
	s29 =	simm.s32 $0x4800  }
0x6: {  	s30 =	simm.s32 $0x5000;
	s31 =	simm.s32 $0x5800;
	s10 =	simm.s32 $0x7800  }
0x7: {  	s11 =	simm.s32 $0x8000;
	s12 =	simm.s32 $0x8800;
	s13 =	simm.s32 $0x9000  }
0x8: {  	s14 =	simm.s32 $0x9800;
	s15 =	simm.s32 $0xA000;
	s16 =	simm.s32 $0xA800  }
0x9: {  	s4 =	sand.u32 $0x1, s3;
	[smem:$0x7FF] =	sst s2;
	s22 =	sshll.u32 s5, $0x7  }
0xa: {  	s3 =	sadd.s32 $0xC2C00, s0;
	s23 =	sshll.u32 s4, $0x6;
	s4 =	ssub.s32 $0x2, s4  }
0xb: {  	_ =	strace $0x8000004A;
	s5 =	sor.u32 s23, s22;
	s7 =	sshrl.u32 s4, $0x1  }
0xc: {  	s22 =	simm.s32 $0x1800;
	s23 =	simm.s32 $0x2000;
	s6 =	sshrl.u32 s5, $0x3  }
0xd: {  	s5 =	sshll.u32 s5, $0x7;
	s7 =	ssub.s32 s4, s7;
	s4 =	sadd.s32 $0xC2D00, s0  }
0xe: {  	s6 =	sadd.s32 s6, s0;
	s8 =	sadd.s32 s5, s0;
	s1 =	sadd.s32 s1, s5  }
0xf: {  	s5 =	sadd.s32 $0xC2E00, s0;
	s24 =	sadd.s32 $0x2A00, s6;
	[dreg:$0x4] =	wrdreg s1  }
0x10: {  	s7 =	smax.u32 s7, $0x1;
	s25 =	sadd.s32 $0x2800, s6;
	[dreg:$0x3] =	wrdreg s24  }
0x11: {  	v2 =	vlaneseq.u32;
	s6 =	sadd.s32 $0xC2F00, s0;
	s26 =	sadd.s32 $0x2C00, s8;
	[dreg:$0x5] =	wrdreg s25  }
0x12: {  	vm0 =	vmmov $0xffff;
	v1 =	vshrl.u32 v2, $0x3;
	s1 =	simm.s32 $0x6800;
	s8 =	simm.s32 $0x7000;
	[dreg:$0x6] =	wrdreg s26  }
0x13: {  	v0 =	vand.u32 $0x7, v2;
	v2 =	vor.u32 $0x8, v2;
	v1 =	vmul.u32 $0x8, v1;
	s24 =	simm.s32 $0x2800;
	s25 =	simm.s32 $0x3000;
	s26 =	simm.s32 $0x3800  }
.LBB2_1:
0x14: {  	s18 =	rddreg [dreg:$0x3]  }
0x15: {  	[tilespmem:s19], [sflag:$0x2] =	stream.linear.gather [hbm4b:s18+s2], $0x40, $0x38;
	[tilespmem:$0x10080] =	vst v63  }
0x16: {  	_ =	swait.ge [sflag:s9], $0x40  }
0x17: {  	[sflag:s9] =	ssyncset.done $0x0  }
0x18: {  	[sflag:s9] =	ssyncadd.s32 $0xFFFFFFC0  }
0x19: {  	v3 =	vld [tilespmem:$0x10000];
	_ =	sdelay $0x4  }
0x1a: {  	v4 =	vshll.u32 v3, $0x3  }
0x1b: {  	v3 =	vand.u32 $0x7, v3;
	v4 =	vand.u32 $0xFFFFFFC0, v4  }
0x1c: {  	v3 =	vor.u32 v3, v4  }
0x1d: {  	v4 =	vperm.xlane v3, v0;
	_ =	sdelay $0x1  }
0x1e: {  	v4 =	vadd.s32 v1, v4;
	_ =	sdelay $0x4  }
0x1f: {  	[tilespmem:s2], [sflag:$0x1] =	stream.indirect_vreg.gather [hbm4b:s3+s2], $0x80, v4, vm0, $0xb8;
	[tilespmem:$0x10080] =	vst v63  }
0x20: {  	v3 =	vperm.xlane v3, v2  }
0x21: {  	[tilespmem:s20], [sflag:$0x1] =	stream.indirect_vreg.gather [hbm4b:s4+s2], $0x80, v4, vm0, $0xb8;
	[tilespmem:$0x10080] =	vst v63  }
0x22: {  	v3 =	vadd.s32 v1, v3  }
0x23: {  	[tilespmem:s21], [sflag:$0x1] =	stream.indirect_vreg.gather [hbm4b:s5+s2], $0x80, v4, vm0, $0xb8;
	[tilespmem:$0x10080] =	vst v63  }
0x24: {  	_ = 	snop  }
0x25: {  	[tilespmem:s22], [sflag:$0x1] =	stream.indirect_vreg.gather [hbm4b:s6+s2], $0x80, v4, vm0, $0xb8;
	[tilespmem:$0x10080] =	vst v63  }
0x26: {  	_ = 	snop  }
0x27: {  	[tilespmem:s23], [sflag:$0x1] =	stream.indirect_vreg.gather [hbm4b:s3+s2], $0x80, v3, vm0, $0xb8;
	[tilespmem:$0x10080] =	vst v63  }
0x28: {  	_ = 	snop  }
0x29: {  	[tilespmem:s24], [sflag:$0x1] =	stream.indirect_vreg.gather [hbm4b:s4+s2], $0x80, v3, vm0, $0xb8;
	[tilespmem:$0x10080] =	vst v63  }
0x2a: {  	_ = 	snop  }
0x2b: {  	[tilespmem:s25], [sflag:$0x1] =	stream.indirect_vreg.gather [hbm4b:s5+s2], $0x80, v3, vm0, $0xb8;
	[tilespmem:$0x10080] =	vst v63  }
0x2c: {  	_ = 	snop  }
0x2d: {  	[tilespmem:s26], [sflag:$0x1] =	stream.indirect_vreg.gather [hbm4b:s6+s2], $0x80, v3, vm0, $0xb8;
	[tilespmem:$0x10080] =	vst v63  }
0x2e: {  	v3 =	vld [tilespmem:$0x10010];
	_ =	sdelay $0x4  }
0x2f: {  	v57 =	vshll.u32 v3, $0x3  }
0x30: {  	v3 =	vand.u32 $0x7, v3;
	v4 =	vand.u32 $0xFFFFFFC0, v57  }
0x31: {  	v3 =	vor.u32 v3, v4  }
0x32: {  	v4 =	vperm.xlane v3, v0;
	_ =	sdelay $0x1  }
0x33: {  	v4 =	vadd.s32 v1, v4;
	_ =	sdelay $0x4  }
0x34: {  	[tilespmem:s28], [sflag:$0x1] =	stream.indirect_vreg.gather [hbm4b:s3+s2], $0x80, v4, vm0, $0xb8;
	[tilespmem:$0x10080] =	vst v63  }
0x35: {  	v3 =	vperm.xlane v3, v2  }
0x36: {  	[tilespmem:s29], [sflag:$0x1] =	stream.indirect_vreg.gather [hbm4b:s4+s2], $0x80, v4, vm0, $0xb8;
	[tilespmem:$0x10080] =	vst v63  }
0x37: {  	v3 =	vadd.s32 v1, v3  }
0x38: {  	[tilespmem:s30], [sflag:$0x1] =	stream.indirect_vreg.gather [hbm4b:s5+s2], $0x80, v4, vm0, $0xb8;
	[tilespmem:$0x10080] =	vst v63  }
0x39: {  	_ = 	snop  }
0x3a: {  	[tilespmem:s31], [sflag:$0x1] =	stream.indirect_vreg.gather [hbm4b:s6+s2], $0x80, v4, vm0, $0xb8;
	[tilespmem:$0x10080] =	vst v63  }
0x3b: {  	s0 =	simm.s32 $0x6000  }
0x3c: {  	[tilespmem:s0], [sflag:$0x1] =	stream.indirect_vreg.gather [hbm4b:s3+s2], $0x80, v3, vm0, $0xb8;
	[tilespmem:$0x10080] =	vst v63  }
0x3d: {  	_ = 	snop  }
0x3e: {  	[tilespmem:s1], [sflag:$0x1] =	stream.indirect_vreg.gather [hbm4b:s4+s2], $0x80, v3, vm0, $0xb8;
	[tilespmem:$0x10080] =	vst v63  }
0x3f: {  	_ = 	snop  }
0x40: {  	[tilespmem:s8], [sflag:$0x1] =	stream.indirect_vreg.gather [hbm4b:s5+s2], $0x80, v3, vm0, $0xb8;
	[tilespmem:$0x10080] =	vst v63  }
0x41: {  	_ = 	snop  }
0x42: {  	[tilespmem:s10], [sflag:$0x1] =	stream.indirect_vreg.gather [hbm4b:s6+s2], $0x80, v3, vm0, $0xb8;
	[tilespmem:$0x10080] =	vst v63  }
0x43: {  	v3 =	vld [tilespmem:$0x10020];
	_ =	sdelay $0x4  }
0x44: {  	v58 =	vshll.u32 v3, $0x3  }
0x45: {  	v3 =	vand.u32 $0x7, v3;
	v4 =	vand.u32 $0xFFFFFFC0, v58  }
0x46: {  	v3 =	vor.u32 v3, v4  }
0x47: {  	v4 =	vperm.xlane v3, v0;
	_ =	sdelay $0x1  }
0x48: {  	v4 =	vadd.s32 v1, v4;
	_ =	sdelay $0x4  }
0x49: {  	[tilespmem:s11], [sflag:$0x1] =	stream.indirect_vreg.gather [hbm4b:s3+s2], $0x80, v4, vm0, $0xb8;
	[tilespmem:$0x10080] =	vst v63  }
0x4a: {  	v3 =	vperm.xlane v3, v2  }
0x4b: {  	[tilespmem:s12], [sflag:$0x1] =	stream.indirect_vreg.gather [hbm4b:s4+s2], $0x80, v4, vm0, $0xb8;
	[tilespmem:$0x10080] =	vst v63  }
0x4c: {  	v3 =	vadd.s32 v1, v3  }
0x4d: {  	[tilespmem:s13], [sflag:$0x1] =	stream.indirect_vreg.gather [hbm4b:s5+s2], $0x80, v4, vm0, $0xb8;
	[tilespmem:$0x10080] =	vst v63  }
0x4e: {  	_ = 	snop  }
0x4f: {  	[tilespmem:s14], [sflag:$0x1] =	stream.indirect_vreg.gather [hbm4b:s6+s2], $0x80, v4, vm0, $0xb8;
	[tilespmem:$0x10080] =	vst v63  }
0x50: {  	_ = 	snop  }
0x51: {  	[tilespmem:s15], [sflag:$0x1] =	stream.indirect_vreg.gather [hbm4b:s3+s2], $0x80, v3, vm0, $0xb8;
	[tilespmem:$0x10080] =	vst v63  }
0x52: {  	_ = 	snop  }
0x53: {  	[tilespmem:s16], [sflag:$0x1] =	stream.indirect_vreg.gather [hbm4b:s4+s2], $0x80, v3, vm0, $0xb8;
	[tilespmem:$0x10080] =	vst v63  }
0x54: {  	s18 =	simm.s32 $0xB000  }
0x55: {  	[tilespmem:s18], [sflag:$0x1] =	stream.indirect_vreg.gather [hbm4b:s5+s2], $0x80, v3, vm0, $0xb8;
	[tilespmem:$0x10080] =	vst v63  }
0x56: {  	s18 =	simm.s32 $0xB800  }
0x57: {  	[tilespmem:s18], [sflag:$0x1] =	stream.indirect_vreg.gather [hbm4b:s6+s2], $0x80, v3, vm0, $0xb8;
	[tilespmem:$0x10080] =	vst v63  }
0x58: {  	v3 =	vld [tilespmem:$0x10030];
	_ =	sdelay $0x4  }
0x59: {  	v59 =	vshll.u32 v3, $0x3  }
0x5a: {  	v3 =	vand.u32 $0x7, v3;
	v4 =	vand.u32 $0xFFFFFFC0, v59  }
0x5b: {  	v3 =	vor.u32 v3, v4  }
0x5c: {  	v4 =	vperm.xlane v3, v0;
	_ =	sdelay $0x1  }
0x5d: {  	v4 =	vadd.s32 v1, v4;
	_ =	sdelay $0x3  }
0x5e: {  	s18 =	simm.s32 $0xC000  }
0x5f: {  	[tilespmem:s18], [sflag:$0x1] =	stream.indirect_vreg.gather [hbm4b:s3+s2], $0x80, v4, vm0, $0xb8;
	[tilespmem:$0x10080] =	vst v63  }
0x60: {  	v3 =	vperm.xlane v3, v2;
	s18 =	simm.s32 $0xC800  }
0x61: {  	[tilespmem:s18], [sflag:$0x1] =	stream.indirect_vreg.gather [hbm4b:s4+s2], $0x80, v4, vm0, $0xb8;
	[tilespmem:$0x10080] =	vst v63  }
0x62: {  	v3 =	vadd.s32 v1, v3;
	s18 =	simm.s32 $0xD000  }
0x63: {  	[tilespmem:s18], [sflag:$0x1] =	stream.indirect_vreg.gather [hbm4b:s5+s2], $0x80, v4, vm0, $0xb8;
	[tilespmem:$0x10080] =	vst v63  }
0x64: {  	s18 =	simm.s32 $0xD800  }
0x65: {  	[tilespmem:s18], [sflag:$0x1] =	stream.indirect_vreg.gather [hbm4b:s6+s2], $0x80, v4, vm0, $0xb8;
	[tilespmem:$0x10080] =	vst v63  }
0x66: {  	s18 =	simm.s32 $0xE000  }
0x67: {  	[tilespmem:s18], [sflag:$0x1] =	stream.indirect_vreg.gather [hbm4b:s3+s2], $0x80, v3, vm0, $0xb8;
	[tilespmem:$0x10080] =	vst v63  }
0x68: {  	s18 =	simm.s32 $0xE800  }
0x69: {  	[tilespmem:s18], [sflag:$0x1] =	stream.indirect_vreg.gather [hbm4b:s4+s2], $0x80, v3, vm0, $0xb8;
	[tilespmem:$0x10080] =	vst v63  }
0x6a: {  	s18 =	simm.s32 $0xF000  }
0x6b: {  	[tilespmem:s18], [sflag:$0x1] =	stream.indirect_vreg.gather [hbm4b:s5+s2], $0x80, v3, vm0, $0xb8;
	[tilespmem:$0x10080] =	vst v63  }
0x6c: {  	s18 =	simm.s32 $0xF800  }
0x6d: {  	[tilespmem:s18], [sflag:$0x1] =	stream.indirect_vreg.gather [hbm4b:s6+s2], $0x80, v3, vm0, $0xb8;
	[tilespmem:$0x10080] =	vst v63  }
0x6e: {  	_ =	swait.ge [sflag:s17], $0x10000  }
0x6f: {  	[sflag:s17] =	ssyncset.done $0x0  }
0x70: {  	s18 =	rddreg [dreg:$0x4];
	[sflag:s17] =	ssyncadd.s32 $0xFFFF0000  }
0x71: {  	[hbm4b:s18+s2] =	stream.linear.scatter [tilespmem:s2], [sflag:$0x2], $0x10000, $0x38;
	[tilespmem:$0x10080] =	vst v63  }
0x72: {  	_ =	swait.ge [sflag:s9], $0x10000  }
0x73: {  	[sflag:s9] =	ssyncset.done $0x0  }
0x74: {  	s18 =	rddreg [dreg:$0x5];
	[sflag:s9] =	ssyncadd.s32 $0xFFFF0000  }
0x75: {  	[tilespmem:s19], [sflag:$0x2] =	stream.linear.gather [hbm4b:s18+s2], $0x40, $0x38;
	[tilespmem:$0x10080] =	vst v63  }
0x76: {  	_ =	swait.ge [sflag:s9], $0x40  }
0x77: {  	[sflag:s9] =	ssyncset.done $0x0  }
0x78: {  	[sflag:s9] =	ssyncadd.s32 $0xFFFFFFC0  }
0x79: {  	v3 =	vld [tilespmem:$0x10000];
	_ =	sdelay $0x4  }
0x7a: {  	v60 =	vshll.u32 v3, $0x3  }
0x7b: {  	v3 =	vand.u32 $0x7, v3;
	v4 =	vand.u32 $0xFFFFFFC0, v60  }
0x7c: {  	v3 =	vor.u32 v3, v4  }
0x7d: {  	v4 =	vperm.xlane v3, v0;
	_ =	sdelay $0x1  }
0x7e: {  	v4 =	vadd.s32 v1, v4;
	_ =	sdelay $0x4  }
0x7f: {  	[tilespmem:s2], [sflag:$0x1] =	stream.indirect_vreg.gather [hbm4b:s3+s2], $0x80, v4, vm0, $0xb8;
	[tilespmem:$0x10080] =	vst v63  }
0x80: {  	v3 =	vperm.xlane v3, v2  }
0x81: {  	[tilespmem:s20], [sflag:$0x1] =	stream.indirect_vreg.gather [hbm4b:s4+s2], $0x80, v4, vm0, $0xb8;
	[tilespmem:$0x10080] =	vst v63  }
0x82: {  	v3 =	vadd.s32 v1, v3  }
0x83: {  	[tilespmem:s21], [sflag:$0x1] =	stream.indirect_vreg.gather [hbm4b:s5+s2], $0x80, v4, vm0, $0xb8;
	[tilespmem:$0x10080] =	vst v63  }
0x84: {  	_ = 	snop  }
0x85: {  	[tilespmem:s22], [sflag:$0x1] =	stream.indirect_vreg.gather [hbm4b:s6+s2], $0x80, v4, vm0, $0xb8;
	[tilespmem:$0x10080] =	vst v63  }
0x86: {  	_ = 	snop  }
0x87: {  	[tilespmem:s23], [sflag:$0x1] =	stream.indirect_vreg.gather [hbm4b:s3+s2], $0x80, v3, vm0, $0xb8;
	[tilespmem:$0x10080] =	vst v63  }
0x88: {  	_ = 	snop  }
0x89: {  	[tilespmem:s24], [sflag:$0x1] =	stream.indirect_vreg.gather [hbm4b:s4+s2], $0x80, v3, vm0, $0xb8;
	[tilespmem:$0x10080] =	vst v63  }
0x8a: {  	_ = 	snop  }
0x8b: {  	[tilespmem:s25], [sflag:$0x1] =	stream.indirect_vreg.gather [hbm4b:s5+s2], $0x80, v3, vm0, $0xb8;
	[tilespmem:$0x10080] =	vst v63  }
0x8c: {  	_ = 	snop  }
0x8d: {  	[tilespmem:s26], [sflag:$0x1] =	stream.indirect_vreg.gather [hbm4b:s6+s2], $0x80, v3, vm0, $0xb8;
	[tilespmem:$0x10080] =	vst v63  }
0x8e: {  	v3 =	vld [tilespmem:$0x10010];
	_ =	sdelay $0x4  }
0x8f: {  	v61 =	vshll.u32 v3, $0x3  }
0x90: {  	v3 =	vand.u32 $0x7, v3;
	v4 =	vand.u32 $0xFFFFFFC0, v61  }
0x91: {  	v3 =	vor.u32 v3, v4  }
0x92: {  	v4 =	vperm.xlane v3, v0;
	_ =	sdelay $0x1  }
0x93: {  	v4 =	vadd.s32 v1, v4;
	_ =	sdelay $0x4  }
0x94: {  	[tilespmem:s28], [sflag:$0x1] =	stream.indirect_vreg.gather [hbm4b:s3+s2], $0x80, v4, vm0, $0xb8;
	[tilespmem:$0x10080] =	vst v63  }
0x95: {  	v3 =	vperm.xlane v3, v2  }
0x96: {  	[tilespmem:s29], [sflag:$0x1] =	stream.indirect_vreg.gather [hbm4b:s4+s2], $0x80, v4, vm0, $0xb8;
	[tilespmem:$0x10080] =	vst v63  }
0x97: {  	v3 =	vadd.s32 v1, v3  }
0x98: {  	[tilespmem:s30], [sflag:$0x1] =	stream.indirect_vreg.gather [hbm4b:s5+s2], $0x80, v4, vm0, $0xb8;
	[tilespmem:$0x10080] =	vst v63  }
0x99: {  	_ = 	snop  }
0x9a: {  	[tilespmem:s31], [sflag:$0x1] =	stream.indirect_vreg.gather [hbm4b:s6+s2], $0x80, v4, vm0, $0xb8;
	[tilespmem:$0x10080] =	vst v63  }
0x9b: {  	_ = 	snop  }
0x9c: {  	[tilespmem:s0], [sflag:$0x1] =	stream.indirect_vreg.gather [hbm4b:s3+s2], $0x80, v3, vm0, $0xb8;
	[tilespmem:$0x10080] =	vst v63  }
0x9d: {  	_ = 	snop  }
0x9e: {  	[tilespmem:s1], [sflag:$0x1] =	stream.indirect_vreg.gather [hbm4b:s4+s2], $0x80, v3, vm0, $0xb8;
	[tilespmem:$0x10080] =	vst v63  }
0x9f: {  	_ = 	snop  }
0xa0: {  	[tilespmem:s8], [sflag:$0x1] =	stream.indirect_vreg.gather [hbm4b:s5+s2], $0x80, v3, vm0, $0xb8;
	[tilespmem:$0x10080] =	vst v63  }
0xa1: {  	_ = 	snop  }
0xa2: {  	[tilespmem:s10], [sflag:$0x1] =	stream.indirect_vreg.gather [hbm4b:s6+s2], $0x80, v3, vm0, $0xb8;
	[tilespmem:$0x10080] =	vst v63  }
0xa3: {  	v3 =	vld [tilespmem:$0x10020];
	_ =	sdelay $0x4  }
0xa4: {  	v62 =	vshll.u32 v3, $0x3  }
0xa5: {  	v3 =	vand.u32 $0x7, v3;
	v4 =	vand.u32 $0xFFFFFFC0, v62  }
0xa6: {  	v3 =	vor.u32 v3, v4  }
0xa7: {  	v4 =	vperm.xlane v3, v0;
	_ =	sdelay $0x1  }
0xa8: {  	v4 =	vadd.s32 v1, v4;
	_ =	sdelay $0x4  }
0xa9: {  	[tilespmem:s11], [sflag:$0x1] =	stream.indirect_vreg.gather [hbm4b:s3+s2], $0x80, v4, vm0, $0xb8;
	[tilespmem:$0x10080] =	vst v63  }
0xaa: {  	v3 =	vperm.xlane v3, v2  }
0xab: {  	[tilespmem:s12], [sflag:$0x1] =	stream.indirect_vreg.gather [hbm4b:s4+s2], $0x80, v4, vm0, $0xb8;
	[tilespmem:$0x10080] =	vst v63  }
0xac: {  	v3 =	vadd.s32 v1, v3  }
0xad: {  	[tilespmem:s13], [sflag:$0x1] =	stream.indirect_vreg.gather [hbm4b:s5+s2], $0x80, v4, vm0, $0xb8;
	[tilespmem:$0x10080] =	vst v63  }
0xae: {  	_ = 	snop  }
0xaf: {  	[tilespmem:s14], [sflag:$0x1] =	stream.indirect_vreg.gather [hbm4b:s6+s2], $0x80, v4, vm0, $0xb8;
	[tilespmem:$0x10080] =	vst v63  }
0xb0: {  	_ = 	snop  }
0xb1: {  	[tilespmem:s15], [sflag:$0x1] =	stream.indirect_vreg.gather [hbm4b:s3+s2], $0x80, v3, vm0, $0xb8;
	[tilespmem:$0x10080] =	vst v63  }
0xb2: {  	_ = 	snop  }
0xb3: {  	[tilespmem:s16], [sflag:$0x1] =	stream.indirect_vreg.gather [hbm4b:s4+s2], $0x80, v3, vm0, $0xb8;
	[tilespmem:$0x10080] =	vst v63  }
0xb4: {  	s18 =	simm.s32 $0xB000  }
0xb5: {  	[tilespmem:s18], [sflag:$0x1] =	stream.indirect_vreg.gather [hbm4b:s5+s2], $0x80, v3, vm0, $0xb8;
	[tilespmem:$0x10080] =	vst v63  }
0xb6: {  	s18 =	simm.s32 $0xB800  }
0xb7: {  	[tilespmem:s18], [sflag:$0x1] =	stream.indirect_vreg.gather [hbm4b:s6+s2], $0x80, v3, vm0, $0xb8;
	[tilespmem:$0x10080] =	vst v63  }
0xb8: {  	v3 =	vld [tilespmem:$0x10030];
	_ =	sdelay $0x4  }
0xb9: {  	v63 =	vshll.u32 v3, $0x3  }
0xba: {  	v3 =	vand.u32 $0x7, v3;
	v4 =	vand.u32 $0xFFFFFFC0, v63  }
0xbb: {  	v3 =	vor.u32 v3, v4  }
0xbc: {  	v4 =	vperm.xlane v3, v0;
	_ =	sdelay $0x1  }
0xbd: {  	v4 =	vadd.s32 v1, v4;
	_ =	sdelay $0x3  }
0xbe: {  	s18 =	simm.s32 $0xC000  }
0xbf: {  	[tilespmem:s18], [sflag:$0x1] =	stream.indirect_vreg.gather [hbm4b:s3+s2], $0x80, v4, vm0, $0xb8;
	[tilespmem:$0x10080] =	vst v63  }
0xc0: {  	v3 =	vperm.xlane v3, v2;
	s18 =	simm.s32 $0xC800  }
0xc1: {  	[tilespmem:s18], [sflag:$0x1] =	stream.indirect_vreg.gather [hbm4b:s4+s2], $0x80, v4, vm0, $0xb8;
	[tilespmem:$0x10080] =	vst v63  }
0xc2: {  	v3 =	vadd.s32 v1, v3;
	s18 =	simm.s32 $0xD000  }
0xc3: {  	[tilespmem:s18], [sflag:$0x1] =	stream.indirect_vreg.gather [hbm4b:s5+s2], $0x80, v4, vm0, $0xb8;
	[tilespmem:$0x10080] =	vst v63  }
0xc4: {  	s18 =	simm.s32 $0xD800  }
0xc5: {  	[tilespmem:s18], [sflag:$0x1] =	stream.indirect_vreg.gather [hbm4b:s6+s2], $0x80, v4, vm0, $0xb8;
	[tilespmem:$0x10080] =	vst v63  }
0xc6: {  	s18 =	simm.s32 $0xE000  }
0xc7: {  	[tilespmem:s18], [sflag:$0x1] =	stream.indirect_vreg.gather [hbm4b:s3+s2], $0x80, v3, vm0, $0xb8;
	[tilespmem:$0x10080] =	vst v63  }
0xc8: {  	s18 =	simm.s32 $0xE800  }
0xc9: {  	[tilespmem:s18], [sflag:$0x1] =	stream.indirect_vreg.gather [hbm4b:s4+s2], $0x80, v3, vm0, $0xb8;
	[tilespmem:$0x10080] =	vst v63  }
0xca: {  	s18 =	simm.s32 $0xF000  }
0xcb: {  	[tilespmem:s18], [sflag:$0x1] =	stream.indirect_vreg.gather [hbm4b:s5+s2], $0x80, v3, vm0, $0xb8;
	[tilespmem:$0x10080] =	vst v63  }
0xcc: {  	s18 =	simm.s32 $0xF800  }
0xcd: {  	[tilespmem:s18], [sflag:$0x1] =	stream.indirect_vreg.gather [hbm4b:s6+s2], $0x80, v3, vm0, $0xb8;
	[tilespmem:$0x10080] =	vst v63  }
0xce: {  	_ =	swait.ge [sflag:s17], $0x10000  }
0xcf: {  	p0 =	sne.s32 s7, $0x1;
	[sflag:s17] =	ssyncset.done $0x0  }
.Ltmp0:
0xd0: {  	s0 =	rddreg [dreg:$0x6];
	[sflag:s17] =	ssyncadd.s32 $0xFFFF0000;
	(pc) =	sbr.rel @p0 .LBB2_1-.Ltmp0, $4  }
0xd1: {  	[hbm4b:s0+s2] =	stream.linear.scatter [tilespmem:s2], [sflag:$0x2], $0x10000, $0x38;
	[tilespmem:$0x10080] =	vst v63  }
0xd2: {  	_ =	swait.ge [sflag:s9], $0x10000  }
0xd3: {  	[sflag:s9] =	ssyncset.done $0x0  }
0xd4: {  	s7 =	sadd.s32 $0xFFFFFFFF, s7;
	[sflag:s9] =	ssyncadd.s32 $0xFFFF0000  }
0xd5: {  	_ =	sfence.sel $0x180000  }
0xd6: {  	[bflag:$0x0] =	sbarrier.arrive $0xFFFF  }
0xd7: {  	_ =	strace $0x9000004A  }
0xd8: {  	s0 =	stileid.u32;
	[bflag:$0x2] =	sbarrier.arrive $0xFFFF  }
0xd9: {  	p0 =	sne.s32 s0, $0x0;
	s0 =	rddreg [dreg:$0x2]  }
0xda: {  	s0 =	sadd.s32 @!p0 $0x100000, s0  }
0xdb: {  	[sflag:s0] =	ssyncadd.tile.s32 @!p0 $0x1;
	_ =	shalt  }
.Lfunc_end2:
_tile_overlayer_lowered:
.L_overlay_start_2:
0xdc: {  	(tag) =	ssettag $0x2  }
0xdd: {  	s0 =	rddreg [dreg:$0x0];
	s2 =	stileid.u32  }
0xde: {  	s1 =	rddreg [dreg:$0x1];
	p0 =	sne.s32 s2, $0x0  }
0xdf: {  	s3 =	rddreg [dreg:$0x2];
	[bflag:$0x3] =	sbarrier.arrive $0xFFFF;
	s2 =	simm.s32 @!p0 $0x1C02  }
0xe0: {  	[timem:s3], [sflag:s2] =	dma.local @!p0 [hbm:s0], s1  }
0xe1: {  	s0 =	simm.s32 @!p0 $0x2  }
0xe2: {  	_ =	swait.ge @!p0 [sflag:s0], s1  }
0xe3: {  	s1 =	ssub.s32 @!p0 $0x0, s1;
	[sflag:s0] =	ssyncset.done @!p0 $0x0  }
0xe4: {  	[sflag:s0] =	ssyncadd.s32 @!p0 s1  }
0xe5: {  	[bflag:$0x3] =	sbarrier.arrive $0xFFFF  }
0xe6: {  	_ =	shalt  }

// kernel: kernel.8.cloned.1.call-start
scs
__scs_entry_jumppad:
0x0: {  	(pc) =	sbr.rel $0x88, $3  }
0x1: {  	(tag) =	ssettag $0x0;
	lr =	simm.s32 $0x1  }
0x2: {  	[smem:$0x3F98] =	sst lr;
	_ =	strace $0xD0000000  }
0x3: {  	_ = 	snop  }
0x4: {  	_ = 	snop  }
0x5: {  	_ = 	snop  }
0x6: {  	_ = 	snop  }
0x7: {  	_ = 	snop  }
__scs_overlays_trampoline_lowered:
0x8: {  	[smem:$0x3FA7] =	sst s0  }
0x9: {  	[smem:$0x3FA8] =	sst s1  }
0xa: {  	[smem:$0x3FA9] =	sst s2  }
0xb: {  	[smem:$0x3FAA] =	sst s3  }
0xc: {  	[smem:$0x3FAB] =	sst s4  }
0xd: {  	[smem:$0x3FAC] =	sst s5  }
0xe: {  	[smem:$0x3FAD] =	sst s6  }
0xf: {  	[smem:$0x3FAE] =	sst s7  }
0x10: {  	[smem:$0x3FAF] =	sst s8  }
0x11: {  	[smem:$0x3FB0] =	sst s9;
	s0 =	simm.s32 @!p0 $0x0  }
0x12: {  	s1 =	sld [smem:$0x3F96];
	s0 =	simm.s32 @p0 $0x1  }
0x13: {  	[smem:$0x3FB1] =	sst s0;
	s0 =	simm.s32 @!p1 $0x0  }
0x14: {  	s2 =	sld [smem:$0x3F95];
	s0 =	simm.s32 @p1 $0x1  }
0x15: {  	[smem:$0x3FB2] =	sst s0;
	s0 =	simm.s32 @!p2 $0x0  }
0x16: {  	s3 =	sld [smem:$0x3FDB];
	s0 =	simm.s32 @p2 $0x1  }
0x17: {  	s4 =	simm.s32 $0x1BF5;
	[smem:$0x3FB4] =	sst s0  }
0x18: {  	s0 =	sld [smem:$0x3F97];
	_ =	swait.ge [sflag:s4], $0x0  }
0x19: {  	s7 =	sld [smem:$0x3F98]  }
0x1a: {  	s8 =	sadd.s32 $0xFFFFE003, lr  }
0x1b: {  	s9 =	sadd.s32 $0xFFFFFEF7, lr;
	s5 =	simm.s32 $0xFFFFFFFF;
	p2 =	slt.u32 s8, $0xFFFFF086  }
0x1c: {  	p1 =	slt.u32 s9, $0xF7A;
	s5 =	simm.s32 @!p2 $0x0  }
0x1d: {  	s5 =	simm.s32 @p1 $0x1;
	p0 =	seq.s32 s7, s2  }
0x1e: {  	s7 =	smul.u32 @!p0 $0xF7A, s2;
	p2 =	seq.s32 @!p0 s5, $0x0  }
0x1f: {  	s9 =	smul.u32 $0xF7A, s1;
	s8 =	simm.s32 @!p0 $0x1BF5;
	p2 =	por !p2, p0  }
0x20: {  	[sflag:s8] =	ssyncset.s32 @!p0 $0xFFFFF086;
	s6 =	sadd.s32 @!p0 s3, s7;
	s7 =	simm.s32 @!p0 $0x108  }
0x21: {  	s3 =	sadd.s32 s3, s9;
	s6 =	sadd.s32 @!p0 $0x88, s6;
	s7 =	simm.s32 @p2 $0x1082  }
0x22: {  	[simem:s7], [sflag:s8] =	dma.local @!p0 [hbm:s6], $0xF7A  }
0x23: {  	s9 =	sor.u32 $0xD0000000, s2;
	s6 =	simm.s32 $0x108;
	_ =	swait.ge @!p0 [sflag:s8], $0x0  }
0x24: {  	s3 =	sadd.s32 $0x88, s3;
	s6 =	simm.s32 @!p1 $0x1082;
	[sflag:s4] =	ssyncset.s32 $0xFFFFF086  }
0x25: {  	[simem:s6], [sflag:s4] =	dma.local [hbm:s3], $0xF7A  }
0x26: {  	[smem:$0x3F98] =	sst s1;
	(tag) =	ssettag s2;
	_ =	strace s9  }
0x27: {  	s1 =	sld [smem:$0x3FA8]  }
0x28: {  	s2 =	sld [smem:$0x3FA9]  }
0x29: {  	s4 =	sld [smem:$0x3FAB]  }
0x2a: {  	p0 =	seq.s32 s5, $0x0;
	s5 =	sld [smem:$0x3FAC]  }
0x2b: {  	s6 =	sld [smem:$0x3FAD]  }
0x2c: {  	s7 =	sld [smem:$0x3FAE]  }
0x2d: {  	s3 =	simm.s32 $0x108;
	s8 =	sld [smem:$0x3FAF]  }
0x2e: {  	s3 =	simm.s32 @!p0 $0x1082;
	s9 =	sld [smem:$0x3FB0]  }
0x2f: {  	lr =	sadd.s32 s0, s3;
	s0 =	sld [smem:$0x3FA7]  }
0x30: {  	s3 =	sld [smem:$0x3FAA]  }
0x31: {  	[smem:$0x3FB3] =	sst s10  }
0x32: {  	s10 =	sld [smem:$0x3FB1];
	_ =	sdelay $0x3  }
0x33: {  	p0 =	seq.s32 s10, $0x1;
	s10 =	sld [smem:$0x3FB3];
	_ =	sdelay $0x3  }
0x34: {  	[smem:$0x3FB3] =	sst s10  }
0x35: {  	s10 =	sld [smem:$0x3FB2];
	_ =	sdelay $0x3  }
0x36: {  	p1 =	seq.s32 s10, $0x1;
	s10 =	sld [smem:$0x3FB3];
	_ =	sdelay $0x3  }
0x37: {  	[smem:$0x3FB3] =	sst s10  }
0x38: {  	s10 =	sld [smem:$0x3FB4]  }
0x39: {  	_ = 	snop;
	(pc) =	sbr.ind lr, $3  }
0x3a: {  	_ = 	snop  }
0x3b: {  	_ = 	snop  }
0x3c: {  	p2 =	seq.s32 s10, $0x1;
	s10 =	sld [smem:$0x3FB3]  }
0x3d: {  	_ =	shalt  }
0x3e: {  	_ =	shalt  }
0x3f: {  	_ =	shalt  }
0x40: {  	_ =	shalt  }
0x41: {  	_ =	shalt  }
0x42: {  	_ =	shalt  }
0x43: {  	_ =	shalt  }
0x44: {  	_ =	shalt  }
0x45: {  	_ =	shalt  }
0x46: {  	_ =	shalt  }
0x47: {  	_ =	shalt  }
0x48: {  	_ =	shalt  }
0x49: {  	_ =	shalt  }
0x4a: {  	_ =	shalt  }
0x4b: {  	_ =	shalt  }
0x4c: {  	_ =	shalt  }
0x4d: {  	_ =	shalt  }
0x4e: {  	_ =	shalt  }
0x4f: {  	_ =	shalt  }
0x50: {  	_ =	shalt  }
0x51: {  	_ =	shalt  }
0x52: {  	_ =	shalt  }
0x53: {  	_ =	shalt  }
0x54: {  	_ =	shalt  }
0x55: {  	_ =	shalt  }
0x56: {  	_ =	shalt  }
0x57: {  	_ =	shalt  }
0x58: {  	_ =	shalt  }
0x59: {  	_ =	shalt  }
0x5a: {  	_ =	shalt  }
0x5b: {  	_ =	shalt  }
0x5c: {  	_ =	shalt  }
0x5d: {  	_ =	shalt  }
0x5e: {  	_ =	shalt  }
0x5f: {  	_ =	shalt  }
0x60: {  	_ =	shalt  }
0x61: {  	_ =	shalt  }
0x62: {  	_ =	shalt  }
0x63: {  	_ =	shalt  }
0x64: {  	_ =	shalt  }
0x65: {  	_ =	shalt  }
0x66: {  	_ =	shalt  }
0x67: {  	_ =	shalt  }
0x68: {  	_ =	shalt  }
0x69: {  	_ =	shalt  }
0x6a: {  	_ =	shalt  }
0x6b: {  	_ =	shalt  }
0x6c: {  	_ =	shalt  }
0x6d: {  	_ =	shalt  }
0x6e: {  	_ =	shalt  }
0x6f: {  	_ =	shalt  }
0x70: {  	_ =	shalt  }
0x71: {  	_ =	shalt  }
0x72: {  	_ =	shalt  }
0x73: {  	_ =	shalt  }
0x74: {  	_ =	shalt  }
0x75: {  	_ =	shalt  }
0x76: {  	_ =	shalt  }
0x77: {  	_ =	shalt  }
0x78: {  	_ =	shalt  }
0x79: {  	_ =	shalt  }
0x7a: {  	_ =	shalt  }
0x7b: {  	_ =	shalt  }
0x7c: {  	_ =	shalt  }
0x7d: {  	_ =	shalt  }
0x7e: {  	_ =	shalt  }
0x7f: {  	_ =	shalt  }
0x80: {  	_ =	shalt  }
0x81: {  	_ =	shalt  }
0x82: {  	_ =	shalt  }
0x83: {  	_ =	shalt  }
0x84: {  	_ =	shalt  }
0x85: {  	_ =	shalt  }
0x86: {  	_ =	shalt  }
0x87: {  	_ =	shalt  }
.Lfunc_end0:
.L_simem_size_0:
called_computation_lowered:
.L_overlay_start_0:
0x88: {  	s2 =	sld [smem:$0x3FD9]  }
0x89: {  	s3 =	sld [smem:$0x3FFE];
	_ =	sdelay $0x1  }
0x8a: {  	s1 =	srdreg.scid  }
0x8b: {  	s0 =	sand.u32 $0x1, s1  }
0x8c: {  	s17 =	sshll.u32 s0, $0xA;
	s2 =	sadd.s32 s3, s2  }
0x8d: {  	s2 =	sadd.s32 s2, s17  }
0x8e: {  	[smem:$0x3FBF] =	sst s2  }
0x8f: {  	_ = 	snop  }
0x90: {  	s2 =	sld [smem:$0x3FC9];
	(tm) =	ssettm $0x1  }
0x91: {  	s18 =	sld [smem:$0x3FFB];
	_ =	sdelay $0x3  }
0x92: {  	_ =	strace s18  }
0x93: {  	s3 =	sld [smem:$0x3FFC];
	_ =	sdelay $0x3  }
0x94: {  	_ =	strace s3  }
0x95: {  	s3 =	sld [smem:$0x3FFD];
	_ =	sdelay $0x3  }
0x96: {  	_ =	strace s3  }
0x97: {  	_ =	strace $0x8FFFFFFF  }
0x98: {  	s19 =	sld [smem:$0x3FDB];
	_ =	sdelay $0x1  }
0x99: {  	s4 =	simm.s32 $_scs_section_size  }
0x9a: {  	s5 =	simm.s32 $_size__tile_overlayer_lowered;
	s6 =	simm.s32 $_tile_overlayer_lowered  }
0x9b: {  	s22 =	simm.s32 $0x1BFF;
	s21 =	sshll.u32 s6, $0x1;
	s3 =	sadd.s32 s4, s19  }
0x9c: {  	s7 =	simm.s32 $0x0;
	s20 =	sshll.u32 s5, $0x1;
	s5 =	sadd.s32 s21, s3  }
0x9d: {  	[timem:s7], [sflag:s22] =	dma.local [hbm:s5], s20  }
0x9e: {  	_ =	swait.ge [sflag:s22], s20  }
0x9f: {  	s4 =	ssub.s32 $0x0, s20;
	[sflag:s22] =	ssyncset.done $0x0  }
0xa0: {  	[sflag:s22] =	ssyncadd.s32 s4;
	_ =	sdelay $0x1  }
0xa1: {  	s23 =	simm.s32 $0x1B8B  }
0xa2: {  	_ =	swait.ge [sflag:s23], $0x1  }
0xa3: {  	[sflag:s23] =	ssyncset.done $0x0  }
0xa4: {  	s25 =	simm.s32 $0x1B8E;
	s24 =	sld [smem:$0x3FFE];
	[sflag:s23] =	ssyncadd.s32 $0xFFFFFFFF  }
0xa5: {  	s26 =	simm.s32 $execute0_lowered;
	[smem:$0x3FD2] =	sst s25  }
0xa6: {  	s5 =	sshll.u32 s26, $0x1;
	_ =	strace $0x80000046;
	[dreg:$0x1] =	wrdreg $0xFFFFFFFF  }
0xa7: {  	s28 =	simm.s32 $_size_execute0_lowered;
	s3 =	sadd.s32 s3, s5;
	[dreg:$0x0] =	wrdreg $0x0  }
0xa8: {  	s5 =	sshll.u32 s28, $0x1;
	[dreg:$0x2] =	wrdreg s3  }
0xa9: {  	[dreg:$0x3] =	wrdreg s5  }
0xaa: {  	[dreg:$0x4] =	wrdreg $0xC0  }
0xab: {  	_ =	task [dreg:s7], $0x5FFFF  }
0xac: {  	[dreg:$0x1] =	wrdreg $0xFFFFFFFF  }
0xad: {  	[dreg:$0x0] =	wrdreg $0x60  }
0xae: {  	[dreg:$0x2] =	wrdreg s2  }
0xaf: {  	[dreg:$0x3] =	wrdreg s24  }
0xb0: {  	[dreg:$0x4] =	wrdreg $0x9  }
0xb1: {  	_ =	task.clear_ibuf [dreg:s7], $0x5FFFF;
	_ =	strace $0x90000046  }
0xb2: {  	s29 =	simm.s32 $0x9;
	_ =	strace $0x80000048  }
0xb3: {  	_ =	swait.ge [sflag:s29], $0x1  }
0xb4: {  	[sflag:s29] =	ssyncadd.s32 $0xFFFFFFFF  }
0xb5: {  	_ =	strace $0x90000048  }
0xb6: {  	_ =	sfence  }
0xb7: {  	s30 =	sld [smem:$0x0];
	_ =	sdelay $0x2  }
0xb8: {  	s31 =	sshll.u32 s1, $0xD;
	s1 =	sshrl.u32 s1, $0x2  }
0xb9: {  	s3 =	sand.u32 $0x4000, s31;
	s1 =	sadd.s32 s1, s30  }
0xba: {  	s0 =	sor.u32 s3, s0;
	s1 =	sshll.u32 s1, $0x11  }
0xbb: {  	s0 =	sor.u32 s1, s0  }
0xbc: {  	s0 =	sadd.s32 $0x8F2B, s0  }
0xbd: {  	[sflag:s0] =	ssyncadd.remote.s32 $0x1  }
0xbe: {  	_ =	sfence.sel $0xFFFF  }
0xbf: {  	[dreg:$0x0] =	wrdreg $0xFFFFFFFF;
	(pc) =	sbr.abs _section_cstart, $3  }
0xc0: {  	[dreg:$0x1] =	wrdreg $0xFFFFFFFF  }
0xc1: {  	_ =	task.clear_ibuf [dreg:s7], $0x2FFFF;
	_ =	strace $0x9FFFFFFF  }
0xc2: {  	(tm) =	ssettm $0x7FFFFFFF  }
0xc3: {  	_ =	shalt  }
tec
execute0_lowered:
.L_overlay_start_1:
0x0: {  	(tag) =	ssettag $0x1  }
0x1: {  	s0 =	srdreg.scid  }
0x2: {  	s1 =	rddreg [dreg:$0x0];
	s2 =	stileid.u32  }
0x3: {  	s6 =	rddreg [dreg:$0x1];
	s25 =	simm.s32 $0x10000;
	s26 =	simm.s32 $0x10080  }
0x4: {  	s8 =	simm.s32 $0x3;
	s20 =	simm.s32 $0x1800;
	s21 =	simm.s32 $0x2000  }
0x5: {  	s22 =	simm.s32 $0x2800;
	s28 =	simm.s32 $0x5000;
	s29 =	simm.s32 $0x5800  }
0x6: {  	s30 =	simm.s32 $0x6000;
	s31 =	simm.s32 $0x6800;
	s9 =	simm.s32 $0x8000  }
0x7: {  	s10 =	simm.s32 $0x8800;
	s11 =	simm.s32 $0x9000;
	s12 =	simm.s32 $0x9800  }
0x8: {  	s13 =	simm.s32 $0xA000;
	s14 =	simm.s32 $0xA800;
	s15 =	simm.s32 $0xB000  }
0x9: {  	s16 =	simm.s32 $0xB800;
	s17 =	simm.s32 $0xC000;
	s0 =	sand.u32 $0x1, s0  }
0xa: {  	s3 =	sshll.u32 s2, $0x7;
	s2 =	simm.s32 $0x0;
	s4 =	sshll.u32 s0, $0x6  }
0xb: {  	[smem:$0x7FF] =	sst s2;
	s0 =	ssub.s32 $0x2, s0;
	s3 =	sor.u32 s4, s3  }
0xc: {  	_ =	strace $0x80000047;
	s5 =	sshrl.u32 s0, $0x1;
	[dreg:$0x6] =	wrdreg s25  }
0xd: {  	[dreg:$0x7] =	wrdreg s26;
	s25 =	simm.s32 $0x4000;
	s26 =	simm.s32 $0x4800  }
0xe: {  	s4 =	sshrl.u32 s3, $0x3;
	s3 =	sshll.u32 s3, $0x7;
	s0 =	ssub.s32 s0, s5  }
0xf: {  	s5 =	sadd.s32 $0x2E00, s6;
	s4 =	sadd.s32 s4, s6;
	s1 =	sadd.s32 s1, s3  }
0x10: {  	s3 =	sadd.s32 $0x2C00, s6;
	s7 =	smax.u32 s0, $0x1;
	[dreg:$0x3] =	wrdreg s1  }
0x11: {  	v2 =	vlaneseq.u32;
	s23 =	sadd.s32 $0x2A00, s4;
	s24 =	sadd.s32 $0x2800, s4;
	s4 =	sadd.s32 $0x2D00, s6  }
0x12: {  	vm0 =	vmmov $0xffff;
	v1 =	vshrl.u32 v2, $0x3;
	s6 =	sadd.s32 $0x2F00, s6;
	s1 =	simm.s32 $0x7000;
	[dreg:$0x4] =	wrdreg s23  }
0x13: {  	v0 =	vand.u32 $0x7, v2;
	v2 =	vor.u32 $0x8, v2;
	v1 =	vmul.u32 $0x8, v1;
	[dreg:$0x5] =	wrdreg s24;
	s23 =	simm.s32 $0x3000;
	s24 =	simm.s32 $0x3800  }
.LBB2_1:
0x14: {  	s18 =	rddreg [dreg:$0x3]  }
0x15: {  	[tilespmem:s2], [sflag:$0x3] =	stream.linear.gather [hbm4b:s18+s2], $0x10000, $0x38;
	[tilespmem:$0x10100] =	vst v63  }
0x16: {  	_ =	swait.ge [sflag:s8], $0x10000  }
0x17: {  	s0 =	rddreg [dreg:$0x4];
	[sflag:s8] =	ssyncset.done $0x0  }
0x18: {  	s19 =	rddreg [dreg:$0x6];
	[sflag:s8] =	ssyncadd.s32 $0xFFFF0000  }
0x19: {  	[tilespmem:s19], [sflag:$0x3] =	stream.linear.gather [hbm4b:s0+s2], $0x40, $0x38;
	[tilespmem:$0x10100] =	vst v63  }
0x1a: {  	_ =	swait.ge [sflag:s8], $0x40  }
0x1b: {  	s19 =	rddreg [dreg:$0x5];
	[sflag:s8] =	ssyncset.done $0x0  }
0x1c: {  	s0 =	rddreg [dreg:$0x7];
	[sflag:s8] =	ssyncadd.s32 $0xFFFFFFC0  }
0x1d: {  	[tilespmem:s0], [sflag:$0x3] =	stream.linear.gather [hbm4b:s19+s2], $0x40, $0x38;
	[tilespmem:$0x10100] =	vst v63  }
0x1e: {  	_ =	swait.ge [sflag:s8], $0x40  }
0x1f: {  	[sflag:s8] =	ssyncset.done $0x0  }
0x20: {  	[sflag:s8] =	ssyncadd.s32 $0xFFFFFFC0  }
0x21: {  	v3 =	vld [tilespmem:$0x10000];
	_ =	sdelay $0x4  }
0x22: {  	v4 =	vshll.u32 v3, $0x3  }
0x23: {  	v3 =	vand.u32 $0x7, v3;
	v4 =	vand.u32 $0xFFFFFFC0, v4  }
0x24: {  	v3 =	vor.u32 v3, v4  }
0x25: {  	v4 =	vperm.xlane v3, v0;
	_ =	sdelay $0x1  }
0x26: {  	v4 =	vadd.s32 v1, v4;
	_ =	sdelay $0x4  }
0x27: {  	[hbm4b:s3+s2] =	stream.indirect_vreg.scatter [tilespmem:s2], [sflag:$0x1], $0x80, v4, vm0, $0xb8;
	[tilespmem:$0x10100] =	vst v63  }
0x28: {  	s18 =	simm.s32 $0x800;
	v3 =	vperm.xlane v3, v2  }
0x29: {  	[hbm4b:s4+s2] =	stream.indirect_vreg.scatter [tilespmem:s18], [sflag:$0x1], $0x80, v4, vm0, $0xb8;
	[tilespmem:$0x10100] =	vst v63  }
0x2a: {  	s19 =	simm.s32 $0x1000;
	v3 =	vadd.s32 v1, v3  }
0x2b: {  	[hbm4b:s5+s2] =	stream.indirect_vreg.scatter [tilespmem:s19], [sflag:$0x1], $0x80, v4, vm0, $0xb8;
	[tilespmem:$0x10100] =	vst v63  }
0x2c: {  	_ = 	snop  }
0x2d: {  	[hbm4b:s6+s2] =	stream.indirect_vreg.scatter [tilespmem:s20], [sflag:$0x1], $0x80, v4, vm0, $0xb8;
	[tilespmem:$0x10100] =	vst v63  }
0x2e: {  	_ = 	snop  }
0x2f: {  	[hbm4b:s3+s2] =	stream.indirect_vreg.scatter [tilespmem:s21], [sflag:$0x1], $0x80, v3, vm0, $0xb8;
	[tilespmem:$0x10100] =	vst v63  }
0x30: {  	_ = 	snop  }
0x31: {  	[hbm4b:s4+s2] =	stream.indirect_vreg.scatter [tilespmem:s22], [sflag:$0x1], $0x80, v3, vm0, $0xb8;
	[tilespmem:$0x10100] =	vst v63  }
0x32: {  	_ = 	snop  }
0x33: {  	[hbm4b:s5+s2] =	stream.indirect_vreg.scatter [tilespmem:s23], [sflag:$0x1], $0x80, v3, vm0, $0xb8;
	[tilespmem:$0x10100] =	vst v63  }
0x34: {  	_ = 	snop  }
0x35: {  	[hbm4b:s6+s2] =	stream.indirect_vreg.scatter [tilespmem:s24], [sflag:$0x1], $0x80, v3, vm0, $0xb8;
	[tilespmem:$0x10100] =	vst v63  }
0x36: {  	v3 =	vld [tilespmem:$0x10010];
	_ =	sdelay $0x4  }
0x37: {  	v57 =	vshll.u32 v3, $0x3  }
0x38: {  	v3 =	vand.u32 $0x7, v3;
	v4 =	vand.u32 $0xFFFFFFC0, v57  }
0x39: {  	v3 =	vor.u32 v3, v4  }
0x3a: {  	v4 =	vperm.xlane v3, v0;
	_ =	sdelay $0x1  }
0x3b: {  	v4 =	vadd.s32 v1, v4;
	_ =	sdelay $0x4  }
0x3c: {  	[hbm4b:s3+s2] =	stream.indirect_vreg.scatter [tilespmem:s25], [sflag:$0x1], $0x80, v4, vm0, $0xb8;
	[tilespmem:$0x10100] =	vst v63  }
0x3d: {  	v3 =	vperm.xlane v3, v2  }
0x3e: {  	[hbm4b:s4+s2] =	stream.indirect_vreg.scatter [tilespmem:s26], [sflag:$0x1], $0x80, v4, vm0, $0xb8;
	[tilespmem:$0x10100] =	vst v63  }
0x3f: {  	v3 =	vadd.s32 v1, v3  }
0x40: {  	[hbm4b:s5+s2] =	stream.indirect_vreg.scatter [tilespmem:s28], [sflag:$0x1], $0x80, v4, vm0, $0xb8;
	[tilespmem:$0x10100] =	vst v63  }
0x41: {  	_ = 	snop  }
0x42: {  	[hbm4b:s6+s2] =	stream.indirect_vreg.scatter [tilespmem:s29], [sflag:$0x1], $0x80, v4, vm0, $0xb8;
	[tilespmem:$0x10100] =	vst v63  }
0x43: {  	_ = 	snop  }
0x44: {  	[hbm4b:s3+s2] =	stream.indirect_vreg.scatter [tilespmem:s30], [sflag:$0x1], $0x80, v3, vm0, $0xb8;
	[tilespmem:$0x10100] =	vst v63  }
0x45: {  	_ = 	snop  }
0x46: {  	[hbm4b:s4+s2] =	stream.indirect_vreg.scatter [tilespmem:s31], [sflag:$0x1], $0x80, v3, vm0, $0xb8;
	[tilespmem:$0x10100] =	vst v63  }
0x47: {  	_ = 	snop  }
0x48: {  	[hbm4b:s5+s2] =	stream.indirect_vreg.scatter [tilespmem:s1], [sflag:$0x1], $0x80, v3, vm0, $0xb8;
	[tilespmem:$0x10100] =	vst v63  }
0x49: {  	s0 =	simm.s32 $0x7800  }
0x4a: {  	[hbm4b:s6+s2] =	stream.indirect_vreg.scatter [tilespmem:s0], [sflag:$0x1], $0x80, v3, vm0, $0xb8;
	[tilespmem:$0x10100] =	vst v63  }
0x4b: {  	v3 =	vld [tilespmem:$0x10020];
	_ =	sdelay $0x4  }
0x4c: {  	v58 =	vshll.u32 v3, $0x3  }
0x4d: {  	v3 =	vand.u32 $0x7, v3;
	v4 =	vand.u32 $0xFFFFFFC0, v58  }
0x4e: {  	v3 =	vor.u32 v3, v4  }
0x4f: {  	v4 =	vperm.xlane v3, v0;
	_ =	sdelay $0x1  }
0x50: {  	v4 =	vadd.s32 v1, v4;
	_ =	sdelay $0x4  }
0x51: {  	[hbm4b:s3+s2] =	stream.indirect_vreg.scatter [tilespmem:s9], [sflag:$0x1], $0x80, v4, vm0, $0xb8;
	[tilespmem:$0x10100] =	vst v63  }
0x52: {  	v3 =	vperm.xlane v3, v2  }
0x53: {  	[hbm4b:s4+s2] =	stream.indirect_vreg.scatter [tilespmem:s10], [sflag:$0x1], $0x80, v4, vm0, $0xb8;
	[tilespmem:$0x10100] =	vst v63  }
0x54: {  	v3 =	vadd.s32 v1, v3  }
0x55: {  	[hbm4b:s5+s2] =	stream.indirect_vreg.scatter [tilespmem:s11], [sflag:$0x1], $0x80, v4, vm0, $0xb8;
	[tilespmem:$0x10100] =	vst v63  }
0x56: {  	_ = 	snop  }
0x57: {  	[hbm4b:s6+s2] =	stream.indirect_vreg.scatter [tilespmem:s12], [sflag:$0x1], $0x80, v4, vm0, $0xb8;
	[tilespmem:$0x10100] =	vst v63  }
0x58: {  	_ = 	snop  }
0x59: {  	[hbm4b:s3+s2] =	stream.indirect_vreg.scatter [tilespmem:s13], [sflag:$0x1], $0x80, v3, vm0, $0xb8;
	[tilespmem:$0x10100] =	vst v63  }
0x5a: {  	_ = 	snop  }
0x5b: {  	[hbm4b:s4+s2] =	stream.indirect_vreg.scatter [tilespmem:s14], [sflag:$0x1], $0x80, v3, vm0, $0xb8;
	[tilespmem:$0x10100] =	vst v63  }
0x5c: {  	_ = 	snop  }
0x5d: {  	[hbm4b:s5+s2] =	stream.indirect_vreg.scatter [tilespmem:s15], [sflag:$0x1], $0x80, v3, vm0, $0xb8;
	[tilespmem:$0x10100] =	vst v63  }
0x5e: {  	_ = 	snop  }
0x5f: {  	[hbm4b:s6+s2] =	stream.indirect_vreg.scatter [tilespmem:s16], [sflag:$0x1], $0x80, v3, vm0, $0xb8;
	[tilespmem:$0x10100] =	vst v63  }
0x60: {  	v3 =	vld [tilespmem:$0x10030];
	_ =	sdelay $0x4  }
0x61: {  	v59 =	vshll.u32 v3, $0x3  }
0x62: {  	v3 =	vand.u32 $0x7, v3;
	v4 =	vand.u32 $0xFFFFFFC0, v59  }
0x63: {  	v3 =	vor.u32 v3, v4  }
0x64: {  	v4 =	vperm.xlane v3, v0;
	_ =	sdelay $0x1  }
0x65: {  	v4 =	vadd.s32 v1, v4;
	_ =	sdelay $0x4  }
0x66: {  	[hbm4b:s3+s2] =	stream.indirect_vreg.scatter [tilespmem:s17], [sflag:$0x1], $0x80, v4, vm0, $0xb8;
	[tilespmem:$0x10100] =	vst v63  }
0x67: {  	s0 =	simm.s32 $0xC800;
	v3 =	vperm.xlane v3, v2  }
0x68: {  	[hbm4b:s4+s2] =	stream.indirect_vreg.scatter [tilespmem:s0], [sflag:$0x1], $0x80, v4, vm0, $0xb8;
	[tilespmem:$0x10100] =	vst v63  }
0x69: {  	v3 =	vadd.s32 v1, v3;
	s0 =	simm.s32 $0xD000  }
0x6a: {  	[hbm4b:s5+s2] =	stream.indirect_vreg.scatter [tilespmem:s0], [sflag:$0x1], $0x80, v4, vm0, $0xb8;
	[tilespmem:$0x10100] =	vst v63  }
0x6b: {  	s0 =	simm.s32 $0xD800  }
0x6c: {  	[hbm4b:s6+s2] =	stream.indirect_vreg.scatter [tilespmem:s0], [sflag:$0x1], $0x80, v4, vm0, $0xb8;
	[tilespmem:$0x10100] =	vst v63  }
0x6d: {  	s0 =	simm.s32 $0xE000  }
0x6e: {  	[hbm4b:s3+s2] =	stream.indirect_vreg.scatter [tilespmem:s0], [sflag:$0x1], $0x80, v3, vm0, $0xb8;
	[tilespmem:$0x10100] =	vst v63  }
0x6f: {  	s0 =	simm.s32 $0xE800  }
0x70: {  	[hbm4b:s4+s2] =	stream.indirect_vreg.scatter [tilespmem:s0], [sflag:$0x1], $0x80, v3, vm0, $0xb8;
	[tilespmem:$0x10100] =	vst v63  }
0x71: {  	s0 =	simm.s32 $0xF000  }
0x72: {  	[hbm4b:s5+s2] =	stream.indirect_vreg.scatter [tilespmem:s0], [sflag:$0x1], $0x80, v3, vm0, $0xb8;
	[tilespmem:$0x10100] =	vst v63  }
0x73: {  	s0 =	simm.s32 $0xF800  }
0x74: {  	[hbm4b:s6+s2] =	stream.indirect_vreg.scatter [tilespmem:s0], [sflag:$0x1], $0x80, v3, vm0, $0xb8;
	[tilespmem:$0x10100] =	vst v63  }
0x75: {  	v3 =	vld [tilespmem:$0x10080];
	_ =	sdelay $0x4  }
0x76: {  	v60 =	vshll.u32 v3, $0x3  }
0x77: {  	v3 =	vand.u32 $0x7, v3;
	v4 =	vand.u32 $0xFFFFFFC0, v60  }
0x78: {  	v3 =	vor.u32 v3, v4  }
0x79: {  	v4 =	vperm.xlane v3, v0;
	_ =	sdelay $0x1  }
0x7a: {  	v4 =	vadd.s32 v1, v4;
	_ =	sdelay $0x4  }
0x7b: {  	[hbm4b:s3+s2] =	stream.indirect_vreg.scatter [tilespmem:s2], [sflag:$0x2], $0x80, v4, vm0, $0xb8;
	[tilespmem:$0x10100] =	vst v63  }
0x7c: {  	v3 =	vperm.xlane v3, v2  }
0x7d: {  	[hbm4b:s4+s2] =	stream.indirect_vreg.scatter [tilespmem:s18], [sflag:$0x2], $0x80, v4, vm0, $0xb8;
	[tilespmem:$0x10100] =	vst v63  }
0x7e: {  	v3 =	vadd.s32 v1, v3  }
0x7f: {  	[hbm4b:s5+s2] =	stream.indirect_vreg.scatter [tilespmem:s19], [sflag:$0x2], $0x80, v4, vm0, $0xb8;
	[tilespmem:$0x10100] =	vst v63  }
0x80: {  	_ = 	snop  }
0x81: {  	[hbm4b:s6+s2] =	stream.indirect_vreg.scatter [tilespmem:s20], [sflag:$0x2], $0x80, v4, vm0, $0xb8;
	[tilespmem:$0x10100] =	vst v63  }
0x82: {  	_ = 	snop  }
0x83: {  	[hbm4b:s3+s2] =	stream.indirect_vreg.scatter [tilespmem:s21], [sflag:$0x2], $0x80, v3, vm0, $0xb8;
	[tilespmem:$0x10100] =	vst v63  }
0x84: {  	_ = 	snop  }
0x85: {  	[hbm4b:s4+s2] =	stream.indirect_vreg.scatter [tilespmem:s22], [sflag:$0x2], $0x80, v3, vm0, $0xb8;
	[tilespmem:$0x10100] =	vst v63  }
0x86: {  	_ = 	snop  }
0x87: {  	[hbm4b:s5+s2] =	stream.indirect_vreg.scatter [tilespmem:s23], [sflag:$0x2], $0x80, v3, vm0, $0xb8;
	[tilespmem:$0x10100] =	vst v63  }
0x88: {  	_ = 	snop  }
0x89: {  	[hbm4b:s6+s2] =	stream.indirect_vreg.scatter [tilespmem:s24], [sflag:$0x2], $0x80, v3, vm0, $0xb8;
	[tilespmem:$0x10100] =	vst v63  }
0x8a: {  	v3 =	vld [tilespmem:$0x10090];
	_ =	sdelay $0x4  }
0x8b: {  	v61 =	vshll.u32 v3, $0x3  }
0x8c: {  	v3 =	vand.u32 $0x7, v3;
	v4 =	vand.u32 $0xFFFFFFC0, v61  }
0x8d: {  	v3 =	vor.u32 v3, v4  }
0x8e: {  	v4 =	vperm.xlane v3, v0;
	_ =	sdelay $0x1  }
0x8f: {  	v4 =	vadd.s32 v1, v4;
	_ =	sdelay $0x4  }
0x90: {  	[hbm4b:s3+s2] =	stream.indirect_vreg.scatter [tilespmem:s25], [sflag:$0x2], $0x80, v4, vm0, $0xb8;
	[tilespmem:$0x10100] =	vst v63  }
0x91: {  	v3 =	vperm.xlane v3, v2  }
0x92: {  	[hbm4b:s4+s2] =	stream.indirect_vreg.scatter [tilespmem:s26], [sflag:$0x2], $0x80, v4, vm0, $0xb8;
	[tilespmem:$0x10100] =	vst v63  }
0x93: {  	v3 =	vadd.s32 v1, v3  }
0x94: {  	[hbm4b:s5+s2] =	stream.indirect_vreg.scatter [tilespmem:s28], [sflag:$0x2], $0x80, v4, vm0, $0xb8;
	[tilespmem:$0x10100] =	vst v63  }
0x95: {  	_ = 	snop  }
0x96: {  	[hbm4b:s6+s2] =	stream.indirect_vreg.scatter [tilespmem:s29], [sflag:$0x2], $0x80, v4, vm0, $0xb8;
	[tilespmem:$0x10100] =	vst v63  }
0x97: {  	_ = 	snop  }
0x98: {  	[hbm4b:s3+s2] =	stream.indirect_vreg.scatter [tilespmem:s30], [sflag:$0x2], $0x80, v3, vm0, $0xb8;
	[tilespmem:$0x10100] =	vst v63  }
0x99: {  	_ = 	snop  }
0x9a: {  	[hbm4b:s4+s2] =	stream.indirect_vreg.scatter [tilespmem:s31], [sflag:$0x2], $0x80, v3, vm0, $0xb8;
	[tilespmem:$0x10100] =	vst v63  }
0x9b: {  	_ = 	snop  }
0x9c: {  	[hbm4b:s5+s2] =	stream.indirect_vreg.scatter [tilespmem:s1], [sflag:$0x2], $0x80, v3, vm0, $0xb8;
	[tilespmem:$0x10100] =	vst v63  }
0x9d: {  	s18 =	simm.s32 $0x7800  }
0x9e: {  	[hbm4b:s6+s2] =	stream.indirect_vreg.scatter [tilespmem:s18], [sflag:$0x2], $0x80, v3, vm0, $0xb8;
	[tilespmem:$0x10100] =	vst v63  }
0x9f: {  	v3 =	vld [tilespmem:$0x100A0];
	_ =	sdelay $0x4  }
0xa0: {  	v62 =	vshll.u32 v3, $0x3  }
0xa1: {  	v3 =	vand.u32 $0x7, v3;
	v4 =	vand.u32 $0xFFFFFFC0, v62  }
0xa2: {  	v3 =	vor.u32 v3, v4  }
0xa3: {  	v4 =	vperm.xlane v3, v0;
	_ =	sdelay $0x1  }
0xa4: {  	v4 =	vadd.s32 v1, v4;
	_ =	sdelay $0x4  }
0xa5: {  	[hbm4b:s3+s2] =	stream.indirect_vreg.scatter [tilespmem:s9], [sflag:$0x2], $0x80, v4, vm0, $0xb8;
	[tilespmem:$0x10100] =	vst v63  }
0xa6: {  	v3 =	vperm.xlane v3, v2  }
0xa7: {  	[hbm4b:s4+s2] =	stream.indirect_vreg.scatter [tilespmem:s10], [sflag:$0x2], $0x80, v4, vm0, $0xb8;
	[tilespmem:$0x10100] =	vst v63  }
0xa8: {  	v3 =	vadd.s32 v1, v3  }
0xa9: {  	[hbm4b:s5+s2] =	stream.indirect_vreg.scatter [tilespmem:s11], [sflag:$0x2], $0x80, v4, vm0, $0xb8;
	[tilespmem:$0x10100] =	vst v63  }
0xaa: {  	_ = 	snop  }
0xab: {  	[hbm4b:s6+s2] =	stream.indirect_vreg.scatter [tilespmem:s12], [sflag:$0x2], $0x80, v4, vm0, $0xb8;
	[tilespmem:$0x10100] =	vst v63  }
0xac: {  	_ = 	snop  }
0xad: {  	[hbm4b:s3+s2] =	stream.indirect_vreg.scatter [tilespmem:s13], [sflag:$0x2], $0x80, v3, vm0, $0xb8;
	[tilespmem:$0x10100] =	vst v63  }
0xae: {  	_ = 	snop  }
0xaf: {  	[hbm4b:s4+s2] =	stream.indirect_vreg.scatter [tilespmem:s14], [sflag:$0x2], $0x80, v3, vm0, $0xb8;
	[tilespmem:$0x10100] =	vst v63  }
0xb0: {  	_ = 	snop  }
0xb1: {  	[hbm4b:s5+s2] =	stream.indirect_vreg.scatter [tilespmem:s15], [sflag:$0x2], $0x80, v3, vm0, $0xb8;
	[tilespmem:$0x10100] =	vst v63  }
0xb2: {  	_ = 	snop  }
0xb3: {  	[hbm4b:s6+s2] =	stream.indirect_vreg.scatter [tilespmem:s16], [sflag:$0x2], $0x80, v3, vm0, $0xb8;
	[tilespmem:$0x10100] =	vst v63  }
0xb4: {  	v3 =	vld [tilespmem:$0x100B0];
	_ =	sdelay $0x4  }
0xb5: {  	v63 =	vshll.u32 v3, $0x3  }
0xb6: {  	v3 =	vand.u32 $0x7, v3;
	v4 =	vand.u32 $0xFFFFFFC0, v63  }
0xb7: {  	v3 =	vor.u32 v3, v4  }
0xb8: {  	v4 =	vperm.xlane v3, v0;
	_ =	sdelay $0x1  }
0xb9: {  	v4 =	vadd.s32 v1, v4;
	_ =	sdelay $0x4  }
0xba: {  	[hbm4b:s3+s2] =	stream.indirect_vreg.scatter [tilespmem:s17], [sflag:$0x2], $0x80, v4, vm0, $0xb8;
	[tilespmem:$0x10100] =	vst v63  }
0xbb: {  	s19 =	simm.s32 $0xC800;
	v3 =	vperm.xlane v3, v2  }
0xbc: {  	[hbm4b:s4+s2] =	stream.indirect_vreg.scatter [tilespmem:s19], [sflag:$0x2], $0x80, v4, vm0, $0xb8;
	[tilespmem:$0x10100] =	vst v63  }
0xbd: {  	s18 =	simm.s32 $0xD000;
	v3 =	vadd.s32 v1, v3  }
0xbe: {  	[hbm4b:s5+s2] =	stream.indirect_vreg.scatter [tilespmem:s18], [sflag:$0x2], $0x80, v4, vm0, $0xb8;
	[tilespmem:$0x10100] =	vst v63  }
0xbf: {  	s19 =	simm.s32 $0xD800  }
0xc0: {  	[hbm4b:s6+s2] =	stream.indirect_vreg.scatter [tilespmem:s19], [sflag:$0x2], $0x80, v4, vm0, $0xb8;
	[tilespmem:$0x10100] =	vst v63  }
0xc1: {  	s18 =	simm.s32 $0xE000  }
0xc2: {  	[hbm4b:s3+s2] =	stream.indirect_vreg.scatter [tilespmem:s18], [sflag:$0x2], $0x80, v3, vm0, $0xb8;
	[tilespmem:$0x10100] =	vst v63  }
0xc3: {  	s19 =	simm.s32 $0xE800  }
0xc4: {  	[hbm4b:s4+s2] =	stream.indirect_vreg.scatter [tilespmem:s19], [sflag:$0x2], $0x80, v3, vm0, $0xb8;
	[tilespmem:$0x10100] =	vst v63  }
0xc5: {  	s18 =	simm.s32 $0xF000  }
0xc6: {  	[hbm4b:s5+s2] =	stream.indirect_vreg.scatter [tilespmem:s18], [sflag:$0x2], $0x80, v3, vm0, $0xb8;
	[tilespmem:$0x10100] =	vst v63  }
0xc7: {  	s19 =	simm.s32 $0xF800;
	s18 =	simm.s32 $0x1  }
0xc8: {  	[hbm4b:s6+s2] =	stream.indirect_vreg.scatter [tilespmem:s19], [sflag:$0x2], $0x80, v3, vm0, $0xb8;
	[tilespmem:$0x10100] =	vst v63  }
0xc9: {  	p0 =	sne.s32 s7, $0x1;
	_ =	swait.ge [sflag:s18], $0x10000  }
.Ltmp0:
0xca: {  	[sflag:s18] =	ssyncset.done $0x0;
	(pc) =	sbr.rel @p0 .LBB2_1-.Ltmp0, $4  }
0xcb: {  	s19 =	simm.s32 $0x2;
	[sflag:s18] =	ssyncadd.s32 $0xFFFF0000  }
0xcc: {  	_ =	swait.ge [sflag:s19], $0x10000  }
0xcd: {  	[sflag:s19] =	ssyncset.done $0x0  }
0xce: {  	s7 =	sadd.s32 $0xFFFFFFFF, s7;
	[sflag:s19] =	ssyncadd.s32 $0xFFFF0000  }
0xcf: {  	_ =	sfence.sel $0x180000  }
0xd0: {  	[bflag:$0x0] =	sbarrier.arrive $0xFFFF  }
0xd1: {  	_ =	strace $0x90000047  }
0xd2: {  	s0 =	stileid.u32;
	[bflag:$0x2] =	sbarrier.arrive $0xFFFF  }
0xd3: {  	p0 =	sne.s32 s0, $0x0;
	s0 =	rddreg [dreg:$0x2]  }
0xd4: {  	s0 =	sadd.s32 @!p0 $0x100000, s0  }
0xd5: {  	[sflag:s0] =	ssyncadd.tile.s32 @!p0 $0x1;
	_ =	shalt  }
.Lfunc_end2:
_tile_overlayer_lowered:
.L_overlay_start_2:
0xd6: {  	(tag) =	ssettag $0x2  }
0xd7: {  	s0 =	rddreg [dreg:$0x0];
	s2 =	stileid.u32  }
0xd8: {  	s1 =	rddreg [dreg:$0x1];
	p0 =	sne.s32 s2, $0x0  }
0xd9: {  	s3 =	rddreg [dreg:$0x2];
	[bflag:$0x3] =	sbarrier.arrive $0xFFFF;
	s2 =	simm.s32 @!p0 $0x1C03  }
0xda: {  	[timem:s3], [sflag:s2] =	dma.local @!p0 [hbm:s0], s1  }
0xdb: {  	s0 =	simm.s32 @!p0 $0x3  }
0xdc: {  	_ =	swait.ge @!p0 [sflag:s0], s1  }
0xdd: {  	s1 =	ssub.s32 @!p0 $0x0, s1;
	[sflag:s0] =	ssyncset.done @!p0 $0x0  }
0xde: {  	[sflag:s0] =	ssyncadd.s32 @!p0 s1  }
0xdf: {  	[bflag:$0x3] =	sbarrier.arrive $0xFFFF  }
0xe0: {  	_ =	shalt  }

</sc_bundles>
